<compile_context>
chip_gen: v7x
topology: tpu7x:2x2x1
jax: 0.10.2.dev20260603
libtpu: 0.0.44.dev20260713+nightly
codegen_flags: <defaults>
</compile_context>

<pallas_src>
import functools

import jax
import jax.numpy as jnp
from jax import lax
from jax.experimental import pallas as pl
from jax.experimental.pallas import tpu as pltpu
from jax.experimental.pallas import tpu_sc as plsc

N = 10000
D = 128
E = 320000
NC = 2
NS = 16
K = 80
EDGES_PER_W = E // (NC * NS)
NCH = EDGES_PER_W // K
NW = NC * NS
NBUF = 2
ROWS_PER_S = 624
ROWS_TAIL = N - NS * ROWS_PER_S


def _build_sc_aggregate():
    mesh = plsc.VectorSubcoreMesh(core_axis_name="c", subcore_axis_name="s")

    @functools.partial(
        pl.kernel,
        out_type=jax.ShapeDtypeStruct((NC, N, D), jnp.float32),
        mesh=mesh,
        scratch_types=[
            pltpu.VMEM((EDGES_PER_W,), jnp.int32),
            pltpu.VMEM((NCH, K), jnp.int32),
            pltpu.VMEM((NBUF, K, D), jnp.float32),
            pltpu.VMEM_SHARED((N, D), jnp.float32),
            pltpu.SemaphoreType.DMA,
            pltpu.SemaphoreType.DMA,
        ],
    )
    def agg(h_hbm, src_hbm, dst_hbm, out_hbm, src_v, dst_v, rows_v, acc,
            sem0, sem1):
        c = lax.axis_index("c")
        s = lax.axis_index("s")
        wid = s * NC + c
        sems = (sem0, sem1)

        pltpu.sync_copy(src_hbm.at[wid], src_v)
        pltpu.sync_copy(dst_hbm.at[wid], dst_v)

        r0 = s * ROWS_PER_S
        pltpu.sync_copy(h_hbm.at[pl.ds(r0, ROWS_PER_S)],
                        acc.at[pl.ds(r0, ROWS_PER_S)])

        @pl.when(s == NS - 1)
        def _():
            pltpu.sync_copy(h_hbm.at[pl.ds(NS * ROWS_PER_S, ROWS_TAIL)],
                            acc.at[pl.ds(NS * ROWS_PER_S, ROWS_TAIL)])

        plsc.subcore_barrier()

        def fire(ci, b):
            pltpu.make_async_copy(h_hbm.at[src_v.at[pl.ds(ci * K, K)]],
                                  rows_v.at[b], sems[b]).start()

        def drain_and_add(ci, b):
            pltpu.make_async_copy(h_hbm.at[src_v.at[pl.ds(ci * K, K)]],
                                  rows_v.at[b], sems[b]).wait()
            pltpu.sync_copy(rows_v.at[b], acc.at[dst_v.at[ci]], add=True)

        for b in range(NBUF):
            fire(b, b)

        @pl.loop(0, (NCH - NBUF - 1) // NBUF)
        def _(p):
            for b in range(NBUF):
                ci = NBUF * p + b
                drain_and_add(ci, b)
                fire(ci + NBUF, b)

        base = NCH - NBUF - 1
        drain_and_add(base, 0)
        fire(NCH - 1, 0)
        for b in range(1, NBUF):
            drain_and_add(base + b, b)
        drain_and_add(NCH - 1, 0)
        plsc.subcore_barrier()

        pltpu.sync_copy(acc.at[pl.ds(r0, ROWS_PER_S)],
                        out_hbm.at[c, pl.ds(r0, ROWS_PER_S)])

        @pl.when(s == NS - 1)
        def _():
            pltpu.sync_copy(acc.at[pl.ds(NS * ROWS_PER_S, ROWS_TAIL)],
                            out_hbm.at[c, pl.ds(NS * ROWS_PER_S, ROWS_TAIL)])

    return agg


_sc_aggregate = _build_sc_aggregate()

_CDIMS = (((1,), (1,)), ((), ()))
BLK = 2000


def _mlp1_body(p_ref, x_ref, w1_ref, b1_ref, w2_ref, b2_ref, o_ref):
    agg = p_ref[0] + p_ref[1] - x_ref[...]
    t = lax.dot_general(agg, w1_ref[...], _CDIMS,
                        preferred_element_type=jnp.float32) + b1_ref[...]
    t = jnp.maximum(t, 0.0)
    h = lax.dot_general(t, w2_ref[...], _CDIMS,
                        preferred_element_type=jnp.float32) + b2_ref[...]
    o_ref[...] = jnp.maximum(h, 0.0)


def _mlp2_body(q_ref, h_ref, w3_ref, b3_ref, o_ref):
    agg = q_ref[0] + q_ref[1] - h_ref[...]
    t = lax.dot_general(agg, w3_ref[...], _CDIMS,
                        preferred_element_type=jnp.float32) + b3_ref[...]
    t = jnp.maximum(t, 0.0)
    m = jnp.max(t, axis=1, keepdims=True)
    lse = m + jnp.log(jnp.sum(jnp.exp(t - m), axis=1, keepdims=True))
    o_ref[...] = t - lse


def _mlp1(p, x, w1, b1, w2, b2):
    return pl.pallas_call(
        _mlp1_body,
        grid=(N // BLK,),
        in_specs=[
            pl.BlockSpec((NC, BLK, D), lambda i: (0, i, 0)),
            pl.BlockSpec((BLK, D), lambda i: (i, 0)),
            pl.BlockSpec((D, D), lambda i: (0, 0)),
            pl.BlockSpec((1, D), lambda i: (0, 0)),
            pl.BlockSpec((D, D), lambda i: (0, 0)),
            pl.BlockSpec((1, D), lambda i: (0, 0)),
        ],
        out_specs=pl.BlockSpec((BLK, D), lambda i: (i, 0)),
        out_shape=jax.ShapeDtypeStruct((N, D), jnp.float32),
    )(p, x, w1, b1.reshape(1, D), w2, b2.reshape(1, D))


def _mlp2(q, h, w3, b3):
    return pl.pallas_call(
        _mlp2_body,
        grid=(N // BLK,),
        in_specs=[
            pl.BlockSpec((NC, BLK, D), lambda i: (0, i, 0)),
            pl.BlockSpec((BLK, D), lambda i: (i, 0)),
            pl.BlockSpec((D, D), lambda i: (0, 0)),
            pl.BlockSpec((1, D), lambda i: (0, 0)),
        ],
        out_specs=pl.BlockSpec((BLK, D), lambda i: (i, 0)),
        out_shape=jax.ShapeDtypeStruct((N, D), jnp.float32),
    )(q, h, w3, b3.reshape(1, D))


def kernel(x, edge_index, W1, b1, W2, b2, W3, b3):
    src = edge_index[0].reshape(NW, EDGES_PER_W)
    dst = edge_index[1].reshape(NW, NCH, K)
    p = _sc_aggregate(x, src, dst)
    h1 = _mlp1(p, x, W1, b1, W2, b2)
    q = _sc_aggregate(h1, src, dst)
    return _mlp2(q, h1, W3, b3)

# --- scband reference (transcript-rebuilt; emitter-appended) ---
"""Pipeline reference for scband-gin-52699248722373 (READ-ONLY COPY).

The authoritative reference and input builder live on the scoring server;
editing this copy changes nothing except your own understanding.
"""

import jax, jax.numpy as jnp
import numpy as np

N = 10000
E = 320000
D_IN = 128
D_HID = 128
D_OUT = 128


def setup_inputs(seed: int = 0) -> dict:
    key = jax.random.key(seed)
    ks = jax.random.split(key, 8)
    x = jax.random.normal(ks[0], (N, D_IN), dtype=jnp.float32)
    edge_index = jax.random.randint(ks[1], (2, E), 0, N, dtype=jnp.int32)
    # GINConv1 MLP: Linear(D_IN, D_HID) -> ReLU -> Linear(D_HID, D_HID)
    W1 = jax.random.normal(ks[2], (D_HID, D_IN), dtype=jnp.float32) * (1.0 / np.sqrt(D_IN))
    b1 = jnp.zeros((D_HID,), dtype=jnp.float32)
    W2 = jax.random.normal(ks[3], (D_HID, D_HID), dtype=jnp.float32) * (1.0 / np.sqrt(D_HID))
    b2 = jnp.zeros((D_HID,), dtype=jnp.float32)
    # GINConv2 MLP: Linear(D_HID, D_OUT) -> ReLU
    W3 = jax.random.normal(ks[4], (D_OUT, D_HID), dtype=jnp.float32) * (1.0 / np.sqrt(D_HID))
    b3 = jnp.zeros((D_OUT,), dtype=jnp.float32)
    return {"x": x, "edge_index": edge_index, "W1": W1, "b1": b1, "W2": W2, "b2": b2, "W3": W3, "b3": b3}


def _gin_aggregate(h, edge_index):
    # PyG GINConv with default eps=0: out = (1 + eps) * x + sum_{j in N(i)} x_j
    src = edge_index[0]
    dst = edge_index[1]
    agg = jnp.zeros_like(h).at[dst].add(h[src])
    return h + agg


def reference(x, edge_index, W1, b1, W2, b2, W3, b3):
    # conv1: GINConv(Sequential(Linear, ReLU, Linear))
    h = _gin_aggregate(x, edge_index)
    h = jnp.maximum(h @ W1.T + b1, 0.0)
    h = h @ W2.T + b2
    # outer F.relu
    h = jnp.maximum(h, 0.0)
    # conv2: GINConv(Sequential(Linear, ReLU))
    h = _gin_aggregate(h, edge_index)
    h = jnp.maximum(h @ W3.T + b3, 0.0)
    # log_softmax over dim=1
    out = h - jax.scipy.special.logsumexp(h, axis=1, keepdims=True)
    return out

if __name__ == "__main__":
    import jax
    _d = setup_inputs()
    print(jax.jit(kernel)(*tuple(_d.values())))

</pallas_src>

<mosaic_0001>
#map = affine_map<(d0, d1) -> (0, 0)>
#map1 = affine_map<(d0, d1) -> (0, 0, 0)>
module attributes {stable_mosaic.version = 14 : i64} {
  func.func @agg(%arg0: i32, %arg1: i32, %arg2: memref<10000x128xf32, #tpu.memory_space<hbm>>, %arg3: memref<32x10000xi32, #tpu.memory_space<hbm>>, %arg4: memref<32x125x80xi32, #tpu.memory_space<hbm>>, %arg5: memref<2x10000x128xf32, #tpu.memory_space<hbm>>, %arg6: memref<10000xi32, #tpu.memory_space<vmem>>, %arg7: memref<125x80xi32, #tpu.memory_space<vmem>>, %arg8: memref<2x80x128xf32, #tpu.memory_space<vmem>>, %arg9: memref<10000x128xf32, #tpu.memory_space<vmem_shared>>, %arg10: memref<!tpu.dma_semaphore, #tpu.memory_space<semaphore_mem>>, %arg11: memref<!tpu.dma_semaphore, #tpu.memory_space<semaphore_mem>>) attributes {dimension_semantics = [#tpu.dimension_semantics<core_parallel>, #tpu.dimension_semantics<subcore_parallel>], iteration_bounds = array<i64: 2, 16>, scalar_prefetch = 0 : i64, scratch_operands = 6 : i64, tpu.core_type = #tpu.core_type<sc_vector_subcore>, window_params = [{transform_indices = #map}, {transform_indices = #map}, {transform_indices = #map1}, {transform_indices = #map1}]} {
    %mul3A = arith.constant 2 : i32
    %mul3A_0 = arith.muli %arg1, %mul3A : i32
    %add3A = arith.addi %mul3A_0, %arg0 : i32
    "tpu.region"() ({
      %run_scoped3A_78 = tpu.sem_alloc : memref<!tpu.dma_semaphore, #tpu.memory_space<semaphore_mem>>
      %dma_start3A_79 = arith.constant 0 : i32
      %dma_start3A_80 = tpu.memref_slice %arg3[%add3A, %dma_start3A_79] : memref<32x10000xi32, #tpu.memory_space<hbm>> -> memref<1x10000xi32, #tpu.memory_space<hbm>>
      %dma_start3A_81 = tpu.memref_squeeze %dma_start3A_80 : memref<1x10000xi32, #tpu.memory_space<hbm>> -> memref<10000xi32, #tpu.memory_space<hbm>>
      %dma_start3A_82 = arith.constant 0 : i32
      %dma_start3A_83 = tpu.memref_slice %arg3[%add3A, %dma_start3A_82] : memref<32x10000xi32, #tpu.memory_space<hbm>> -> memref<1x10000xi32, #tpu.memory_space<hbm>>
      %dma_start3A_84 = tpu.memref_squeeze %dma_start3A_83 : memref<1x10000xi32, #tpu.memory_space<hbm>> -> memref<10000xi32, #tpu.memory_space<hbm>>
      tpu.enqueue_dma source(%dma_start3A_84 : memref<10000xi32, #tpu.memory_space<hbm>>) target(%arg6 : memref<10000xi32, #tpu.memory_space<vmem>>) target_semaphore(%run_scoped3A_78 : memref<!tpu.dma_semaphore, #tpu.memory_space<semaphore_mem>>)
      %dma_wait3A_85 = arith.constant 0 : i32
      %dma_wait3A_86 = tpu.memref_slice %arg3[%add3A, %dma_wait3A_85] : memref<32x10000xi32, #tpu.memory_space<hbm>> -> memref<1x10000xi32, #tpu.memory_space<hbm>>
      %dma_wait3A_87 = tpu.memref_squeeze %dma_wait3A_86 : memref<1x10000xi32, #tpu.memory_space<hbm>> -> memref<10000xi32, #tpu.memory_space<hbm>>
      %dma_wait3A_88 = arith.constant 0 : i32
      %dma_wait3A_89 = tpu.memref_slice %arg3[%add3A, %dma_wait3A_88] : memref<32x10000xi32, #tpu.memory_space<hbm>> -> memref<1x10000xi32, #tpu.memory_space<hbm>>
      %dma_wait3A_90 = tpu.memref_squeeze %dma_wait3A_89 : memref<1x10000xi32, #tpu.memory_space<hbm>> -> memref<10000xi32, #tpu.memory_space<hbm>>
      tpu.wait_dma2 semaphore(%run_scoped3A_78 : memref<!tpu.dma_semaphore, #tpu.memory_space<semaphore_mem>>) src(%dma_wait3A_90 : memref<10000xi32, #tpu.memory_space<hbm>>) dst(%arg6 : memref<10000xi32, #tpu.memory_space<vmem>>)
      tpu.yield
    }) : () -> ()
    "tpu.region"() ({
      %run_scoped3A_78 = tpu.sem_alloc : memref<!tpu.dma_semaphore, #tpu.memory_space<semaphore_mem>>
      %dma_start3A_79 = arith.constant 0 : i32
      %dma_start3A_80 = arith.constant 0 : i32
      %dma_start3A_81 = tpu.memref_slice %arg4[%add3A, %dma_start3A_79, %dma_start3A_80] : memref<32x125x80xi32, #tpu.memory_space<hbm>> -> memref<1x125x80xi32, #tpu.memory_space<hbm>>
      %dma_start3A_82 = tpu.memref_squeeze %dma_start3A_81 : memref<1x125x80xi32, #tpu.memory_space<hbm>> -> memref<125x80xi32, #tpu.memory_space<hbm>>
      %dma_start3A_83 = arith.constant 0 : i32
      %dma_start3A_84 = arith.constant 0 : i32
      %dma_start3A_85 = tpu.memref_slice %arg4[%add3A, %dma_start3A_83, %dma_start3A_84] : memref<32x125x80xi32, #tpu.memory_space<hbm>> -> memref<1x125x80xi32, #tpu.memory_space<hbm>>
      %dma_start3A_86 = tpu.memref_squeeze %dma_start3A_85 : memref<1x125x80xi32, #tpu.memory_space<hbm>> -> memref<125x80xi32, #tpu.memory_space<hbm>>
      tpu.enqueue_dma source(%dma_start3A_86 : memref<125x80xi32, #tpu.memory_space<hbm>>) target(%arg7 : memref<125x80xi32, #tpu.memory_space<vmem>>) target_semaphore(%run_scoped3A_78 : memref<!tpu.dma_semaphore, #tpu.memory_space<semaphore_mem>>)
      %dma_wait3A_87 = arith.constant 0 : i32
      %dma_wait3A_88 = arith.constant 0 : i32
      %dma_wait3A_89 = tpu.memref_slice %arg4[%add3A, %dma_wait3A_87, %dma_wait3A_88] : memref<32x125x80xi32, #tpu.memory_space<hbm>> -> memref<1x125x80xi32, #tpu.memory_space<hbm>>
      %dma_wait3A_90 = tpu.memref_squeeze %dma_wait3A_89 : memref<1x125x80xi32, #tpu.memory_space<hbm>> -> memref<125x80xi32, #tpu.memory_space<hbm>>
      %dma_wait3A_91 = arith.constant 0 : i32
      %dma_wait3A_92 = arith.constant 0 : i32
      %dma_wait3A_93 = tpu.memref_slice %arg4[%add3A, %dma_wait3A_91, %dma_wait3A_92] : memref<32x125x80xi32, #tpu.memory_space<hbm>> -> memref<1x125x80xi32, #tpu.memory_space<hbm>>
      %dma_wait3A_94 = tpu.memref_squeeze %dma_wait3A_93 : memref<1x125x80xi32, #tpu.memory_space<hbm>> -> memref<125x80xi32, #tpu.memory_space<hbm>>
      tpu.wait_dma2 semaphore(%run_scoped3A_78 : memref<!tpu.dma_semaphore, #tpu.memory_space<semaphore_mem>>) src(%dma_wait3A_94 : memref<125x80xi32, #tpu.memory_space<hbm>>) dst(%arg7 : memref<125x80xi32, #tpu.memory_space<vmem>>)
      tpu.yield
    }) : () -> ()
    %mul3A_1 = arith.constant 624 : i32
    %mul3A_2 = arith.muli %arg1, %mul3A_1 : i32
    "tpu.region"() ({
      %run_scoped3A_78 = tpu.sem_alloc : memref<!tpu.dma_semaphore, #tpu.memory_space<semaphore_mem>>
      %dma_start3A_79 = arith.constant 0 : i32
      %dma_start3A_80 = tpu.memref_slice %arg9[%mul3A_2, %dma_start3A_79] : memref<10000x128xf32, #tpu.memory_space<vmem_shared>> -> memref<624x128xf32, #tpu.memory_space<vmem_shared>>
      %dma_start3A_81 = arith.constant 0 : i32
      %dma_start3A_82 = tpu.memref_slice %arg2[%mul3A_2, %dma_start3A_81] : memref<10000x128xf32, #tpu.memory_space<hbm>> -> memref<624x128xf32, #tpu.memory_space<hbm>>
      tpu.enqueue_dma source(%dma_start3A_82 : memref<624x128xf32, #tpu.memory_space<hbm>>) target(%dma_start3A_80 : memref<624x128xf32, #tpu.memory_space<vmem_shared>>) target_semaphore(%run_scoped3A_78 : memref<!tpu.dma_semaphore, #tpu.memory_space<semaphore_mem>>)
      %dma_wait3A_83 = arith.constant 0 : i32
      %dma_wait3A_84 = tpu.memref_slice %arg9[%mul3A_2, %dma_wait3A_83] : memref<10000x128xf32, #tpu.memory_space<vmem_shared>> -> memref<624x128xf32, #tpu.memory_space<vmem_shared>>
      %dma_wait3A_85 = arith.constant 0 : i32
      %dma_wait3A_86 = tpu.memref_slice %arg2[%mul3A_2, %dma_wait3A_85] : memref<10000x128xf32, #tpu.memory_space<hbm>> -> memref<624x128xf32, #tpu.memory_space<hbm>>
      tpu.wait_dma2 semaphore(%run_scoped3A_78 : memref<!tpu.dma_semaphore, #tpu.memory_space<semaphore_mem>>) src(%dma_wait3A_86 : memref<624x128xf32, #tpu.memory_space<hbm>>) dst(%dma_wait3A_84 : memref<624x128xf32, #tpu.memory_space<vmem_shared>>)
      tpu.yield
    }) : () -> ()
    %eq3A = arith.constant 15 : i32
    %eq3A_3 = arith.cmpi eq, %arg1, %eq3A : i32
    %convert_element_type3A = arith.extui %eq3A_3 : i1 to i32
    %cond3A = arith.constant 0 : i32
    %cond3A_4 = arith.cmpi ne, %convert_element_type3A, %cond3A : i32
    scf.if %cond3A_4 {
      "tpu.region"() ({
        %run_scoped3A_78 = tpu.sem_alloc : memref<!tpu.dma_semaphore, #tpu.memory_space<semaphore_mem>>
        %dma_start3A_79 = arith.constant 9984 : i32
        %dma_start3A_80 = arith.constant 0 : i32
        %dma_start3A_81 = tpu.memref_slice %arg9[%dma_start3A_79, %dma_start3A_80] : memref<10000x128xf32, #tpu.memory_space<vmem_shared>> -> memref<16x128xf32, #tpu.memory_space<vmem_shared>>
        %dma_start3A_82 = arith.constant 9984 : i32
        %dma_start3A_83 = arith.constant 0 : i32
        %dma_start3A_84 = tpu.memref_slice %arg2[%dma_start3A_82, %dma_start3A_83] : memref<10000x128xf32, #tpu.memory_space<hbm>> -> memref<16x128xf32, #tpu.memory_space<hbm>>
        tpu.enqueue_dma source(%dma_start3A_84 : memref<16x128xf32, #tpu.memory_space<hbm>>) target(%dma_start3A_81 : memref<16x128xf32, #tpu.memory_space<vmem_shared>>) target_semaphore(%run_scoped3A_78 : memref<!tpu.dma_semaphore, #tpu.memory_space<semaphore_mem>>)
        %dma_wait3A_85 = arith.constant 9984 : i32
        %dma_wait3A_86 = arith.constant 0 : i32
        %dma_wait3A_87 = tpu.memref_slice %arg9[%dma_wait3A_85, %dma_wait3A_86] : memref<10000x128xf32, #tpu.memory_space<vmem_shared>> -> memref<16x128xf32, #tpu.memory_space<vmem_shared>>
        %dma_wait3A_88 = arith.constant 9984 : i32
        %dma_wait3A_89 = arith.constant 0 : i32
        %dma_wait3A_90 = tpu.memref_slice %arg2[%dma_wait3A_88, %dma_wait3A_89] : memref<10000x128xf32, #tpu.memory_space<hbm>> -> memref<16x128xf32, #tpu.memory_space<hbm>>
        tpu.wait_dma2 semaphore(%run_scoped3A_78 : memref<!tpu.dma_semaphore, #tpu.memory_space<semaphore_mem>>) src(%dma_wait3A_90 : memref<16x128xf32, #tpu.memory_space<hbm>>) dst(%dma_wait3A_87 : memref<16x128xf32, #tpu.memory_space<vmem_shared>>)
        tpu.yield
      }) : () -> ()
    } else {
    }
    %barrier3A = arith.constant 0 : index
    tpu.barrier barrier_id(%barrier3A)
    %dma_start3A = arith.constant 0 : i32
    %dma_start3A_5 = arith.constant 0 : i32
    %dma_start3A_6 = arith.constant 0 : i32
    %dma_start3A_7 = tpu.memref_slice %arg8[%dma_start3A, %dma_start3A_5, %dma_start3A_6] : memref<2x80x128xf32, #tpu.memory_space<vmem>> -> memref<1x80x128xf32, #tpu.memory_space<vmem>>
    %dma_start3A_8 = tpu.memref_squeeze %dma_start3A_7 : memref<1x80x128xf32, #tpu.memory_space<vmem>> -> memref<80x128xf32, #tpu.memory_space<vmem>>
    %dma_start3A_9 = arith.constant 0 : i32
    %dma_start3A_10 = tpu.memref_slice %arg6[%dma_start3A_9] : memref<10000xi32, #tpu.memory_space<vmem>> -> memref<80xi32, #tpu.memory_space<vmem>>
    %dma_start3A_11 = arith.constant 0 : i32
    %dma_start3A_12 = arith.constant 0 : i32
    %dma_start3A_13 = tpu.memref_slice %arg2[%dma_start3A_11, %dma_start3A_12] : memref<10000x128xf32, #tpu.memory_space<hbm>> -> memref<10000x128xf32, #tpu.memory_space<hbm>>
    tpu.enqueue_indirect_dma source(%dma_start3A_13 : memref<10000x128xf32, #tpu.memory_space<hbm>>) target(%dma_start3A_8 : memref<80x128xf32, #tpu.memory_space<vmem>>) offsets(%dma_start3A_10 : memref<80xi32, #tpu.memory_space<vmem>>) semaphore(%arg10 : memref<!tpu.dma_semaphore, #tpu.memory_space<semaphore_mem>>)
    %dma_start3A_14 = arith.constant 1 : i32
    %dma_start3A_15 = arith.constant 0 : i32
    %dma_start3A_16 = arith.constant 0 : i32
    %dma_start3A_17 = tpu.memref_slice %arg8[%dma_start3A_14, %dma_start3A_15, %dma_start3A_16] : memref<2x80x128xf32, #tpu.memory_space<vmem>> -> memref<1x80x128xf32, #tpu.memory_space<vmem>>
    %dma_start3A_18 = tpu.memref_squeeze %dma_start3A_17 : memref<1x80x128xf32, #tpu.memory_space<vmem>> -> memref<80x128xf32, #tpu.memory_space<vmem>>
    %dma_start3A_19 = arith.constant 80 : i32
    %dma_start3A_20 = tpu.memref_slice %arg6[%dma_start3A_19] : memref<10000xi32, #tpu.memory_space<vmem>> -> memref<80xi32, #tpu.memory_space<vmem>>
    %dma_start3A_21 = arith.constant 0 : i32
    %dma_start3A_22 = arith.constant 0 : i32
    %dma_start3A_23 = tpu.memref_slice %arg2[%dma_start3A_21, %dma_start3A_22] : memref<10000x128xf32, #tpu.memory_space<hbm>> -> memref<10000x128xf32, #tpu.memory_space<hbm>>
    tpu.enqueue_indirect_dma source(%dma_start3A_23 : memref<10000x128xf32, #tpu.memory_space<hbm>>) target(%dma_start3A_18 : memref<80x128xf32, #tpu.memory_space<vmem>>) offsets(%dma_start3A_20 : memref<80xi32, #tpu.memory_space<vmem>>) semaphore(%arg11 : memref<!tpu.dma_semaphore, #tpu.memory_space<semaphore_mem>>)
    %scan3A = arith.constant 0 : i32
    %scan3A_24 = arith.constant 61 : i32
    %scan3A_25 = arith.addi %scan3A, %scan3A_24 : i32
    %scan3A_26 = arith.constant 1 : i32
    scf.for %scan3A_78 = %scan3A to %scan3A_25 step %scan3A_26  : i32 {
      %mul3A_79 = arith.constant 1 : i32
      %mul3A_80 = arith.muli %scan3A_78, %mul3A_79 : i32
      %add3A_81 = arith.constant 0 : i32
      %add3A_82 = arith.addi %add3A_81, %mul3A_80 : i32
      %mul3A_83 = arith.constant 2 : i32
      %mul3A_84 = arith.muli %mul3A_83, %add3A_82 : i32
      %add3A_85 = arith.constant 0 : i32
      %add3A_86 = arith.addi %mul3A_84, %add3A_85 : i32
      %mul3A_87 = arith.constant 80 : i32
      %mul3A_88 = arith.muli %add3A_86, %mul3A_87 : i32
      %dma_wait3A_89 = arith.constant 0 : i32
      %dma_wait3A_90 = arith.constant 0 : i32
      %dma_wait3A_91 = arith.constant 0 : i32
      %dma_wait3A_92 = tpu.memref_slice %arg8[%dma_wait3A_89, %dma_wait3A_90, %dma_wait3A_91] : memref<2x80x128xf32, #tpu.memory_space<vmem>> -> memref<1x80x128xf32, #tpu.memory_space<vmem>>
      %dma_wait3A_93 = tpu.memref_squeeze %dma_wait3A_92 : memref<1x80x128xf32, #tpu.memory_space<vmem>> -> memref<80x128xf32, #tpu.memory_space<vmem>>
      %dma_wait3A_94 = tpu.memref_slice %arg6[%mul3A_88] : memref<10000xi32, #tpu.memory_space<vmem>> -> memref<80xi32, #tpu.memory_space<vmem>>
      %dma_wait3A_95 = arith.constant 0 : i32
      %dma_wait3A_96 = arith.constant 0 : i32
      %dma_wait3A_97 = tpu.memref_slice %arg2[%dma_wait3A_95, %dma_wait3A_96] : memref<10000x128xf32, #tpu.memory_space<hbm>> -> memref<10000x128xf32, #tpu.memory_space<hbm>>
      tpu.wait_indirect_dma semaphore(%arg10 : memref<!tpu.dma_semaphore, #tpu.memory_space<semaphore_mem>>) src(%dma_wait3A_97 : memref<10000x128xf32, #tpu.memory_space<hbm>>) dst(%dma_wait3A_93 : memref<80x128xf32, #tpu.memory_space<vmem>>)
      %run_scoped3A_98 = arith.constant 0 : i32
      "tpu.region"() ({
        %run_scoped3A_141 = tpu.sem_alloc : memref<!tpu.dma_semaphore, #tpu.memory_space<semaphore_mem>>
        %dma_start3A_142 = arith.constant 0 : i32
        %dma_start3A_143 = arith.constant 0 : i32
        %dma_start3A_144 = tpu.memref_slice %arg8[%run_scoped3A_98, %dma_start3A_142, %dma_start3A_143] : memref<2x80x128xf32, #tpu.memory_space<vmem>> -> memref<1x80x128xf32, #tpu.memory_space<vmem>>
        %dma_start3A_145 = tpu.memref_squeeze %dma_start3A_144 : memref<1x80x128xf32, #tpu.memory_space<vmem>> -> memref<80x128xf32, #tpu.memory_space<vmem>>
        %dma_start3A_146 = arith.constant 0 : i32
        %dma_start3A_147 = tpu.memref_slice %arg7[%add3A_86, %dma_start3A_146] : memref<125x80xi32, #tpu.memory_space<vmem>> -> memref<1x80xi32, #tpu.memory_space<vmem>>
        %dma_start3A_148 = tpu.memref_squeeze %dma_start3A_147 : memref<1x80xi32, #tpu.memory_space<vmem>> -> memref<80xi32, #tpu.memory_space<vmem>>
        %dma_start3A_149 = arith.constant 0 : i32
        %dma_start3A_150 = arith.constant 0 : i32
        %dma_start3A_151 = tpu.memref_slice %arg9[%dma_start3A_149, %dma_start3A_150] : memref<10000x128xf32, #tpu.memory_space<vmem_shared>> -> memref<10000x128xf32, #tpu.memory_space<vmem_shared>>
        tpu.enqueue_indirect_dma source(%dma_start3A_145 : memref<80x128xf32, #tpu.memory_space<vmem>>) target(%dma_start3A_151 : memref<10000x128xf32, #tpu.memory_space<vmem_shared>>) offsets(%dma_start3A_148 : memref<80xi32, #tpu.memory_space<vmem>>) semaphore(%run_scoped3A_141 : memref<!tpu.dma_semaphore, #tpu.memory_space<semaphore_mem>>) {add = true}
        %dma_wait3A_152 = arith.constant 0 : i32
        %dma_wait3A_153 = arith.constant 0 : i32
        %dma_wait3A_154 = tpu.memref_slice %arg8[%run_scoped3A_98, %dma_wait3A_152, %dma_wait3A_153] : memref<2x80x128xf32, #tpu.memory_space<vmem>> -> memref<1x80x128xf32, #tpu.memory_space<vmem>>
        %dma_wait3A_155 = tpu.memref_squeeze %dma_wait3A_154 : memref<1x80x128xf32, #tpu.memory_space<vmem>> -> memref<80x128xf32, #tpu.memory_space<vmem>>
        %dma_wait3A_156 = arith.constant 0 : i32
        %dma_wait3A_157 = tpu.memref_slice %arg7[%add3A_86, %dma_wait3A_156] : memref<125x80xi32, #tpu.memory_space<vmem>> -> memref<1x80xi32, #tpu.memory_space<vmem>>
        %dma_wait3A_158 = tpu.memref_squeeze %dma_wait3A_157 : memref<1x80xi32, #tpu.memory_space<vmem>> -> memref<80xi32, #tpu.memory_space<vmem>>
        %dma_wait3A_159 = arith.constant 0 : i32
        %dma_wait3A_160 = arith.constant 0 : i32
        %dma_wait3A_161 = tpu.memref_slice %arg9[%dma_wait3A_159, %dma_wait3A_160] : memref<10000x128xf32, #tpu.memory_space<vmem_shared>> -> memref<10000x128xf32, #tpu.memory_space<vmem_shared>>
        tpu.wait_indirect_dma semaphore(%run_scoped3A_141 : memref<!tpu.dma_semaphore, #tpu.memory_space<semaphore_mem>>) src(%dma_wait3A_155 : memref<80x128xf32, #tpu.memory_space<vmem>>) dst(%dma_wait3A_161 : memref<10000x128xf32, #tpu.memory_space<vmem_shared>>)
        tpu.yield
      }) : () -> ()
      %add3A_99 = arith.constant 2 : i32
      %add3A_100 = arith.addi %add3A_86, %add3A_99 : i32
      %mul3A_101 = arith.constant 80 : i32
      %mul3A_102 = arith.muli %add3A_100, %mul3A_101 : i32
      %dma_start3A_103 = arith.constant 0 : i32
      %dma_start3A_104 = arith.constant 0 : i32
      %dma_start3A_105 = arith.constant 0 : i32
      %dma_start3A_106 = tpu.memref_slice %arg8[%dma_start3A_103, %dma_start3A_104, %dma_start3A_105] : memref<2x80x128xf32, #tpu.memory_space<vmem>> -> memref<1x80x128xf32, #tpu.memory_space<vmem>>
      %dma_start3A_107 = tpu.memref_squeeze %dma_start3A_106 : memref<1x80x128xf32, #tpu.memory_space<vmem>> -> memref<80x128xf32, #tpu.memory_space<vmem>>
      %dma_start3A_108 = tpu.memref_slice %arg6[%mul3A_102] : memref<10000xi32, #tpu.memory_space<vmem>> -> memref<80xi32, #tpu.memory_space<vmem>>
      %dma_start3A_109 = arith.constant 0 : i32
      %dma_start3A_110 = arith.constant 0 : i32
      %dma_start3A_111 = tpu.memref_slice %arg2[%dma_start3A_109, %dma_start3A_110] : memref<10000x128xf32, #tpu.memory_space<hbm>> -> memref<10000x128xf32, #tpu.memory_space<hbm>>
      tpu.enqueue_indirect_dma source(%dma_start3A_111 : memref<10000x128xf32, #tpu.memory_space<hbm>>) target(%dma_start3A_107 : memref<80x128xf32, #tpu.memory_space<vmem>>) offsets(%dma_start3A_108 : memref<80xi32, #tpu.memory_space<vmem>>) semaphore(%arg10 : memref<!tpu.dma_semaphore, #tpu.memory_space<semaphore_mem>>)
      %mul3A_112 = arith.constant 2 : i32
      %mul3A_113 = arith.muli %mul3A_112, %add3A_82 : i32
      %add3A_114 = arith.constant 1 : i32
      %add3A_115 = arith.addi %mul3A_113, %add3A_114 : i32
      %mul3A_116 = arith.constant 80 : i32
      %mul3A_117 = arith.muli %add3A_115, %mul3A_116 : i32
      %dma_wait3A_118 = arith.constant 1 : i32
      %dma_wait3A_119 = arith.constant 0 : i32
      %dma_wait3A_120 = arith.constant 0 : i32
      %dma_wait3A_121 = tpu.memref_slice %arg8[%dma_wait3A_118, %dma_wait3A_119, %dma_wait3A_120] : memref<2x80x128xf32, #tpu.memory_space<vmem>> -> memref<1x80x128xf32, #tpu.memory_space<vmem>>
      %dma_wait3A_122 = tpu.memref_squeeze %dma_wait3A_121 : memref<1x80x128xf32, #tpu.memory_space<vmem>> -> memref<80x128xf32, #tpu.memory_space<vmem>>
      %dma_wait3A_123 = tpu.memref_slice %arg6[%mul3A_117] : memref<10000xi32, #tpu.memory_space<vmem>> -> memref<80xi32, #tpu.memory_space<vmem>>
      %dma_wait3A_124 = arith.constant 0 : i32
      %dma_wait3A_125 = arith.constant 0 : i32
      %dma_wait3A_126 = tpu.memref_slice %arg2[%dma_wait3A_124, %dma_wait3A_125] : memref<10000x128xf32, #tpu.memory_space<hbm>> -> memref<10000x128xf32, #tpu.memory_space<hbm>>
      tpu.wait_indirect_dma semaphore(%arg11 : memref<!tpu.dma_semaphore, #tpu.memory_space<semaphore_mem>>) src(%dma_wait3A_126 : memref<10000x128xf32, #tpu.memory_space<hbm>>) dst(%dma_wait3A_122 : memref<80x128xf32, #tpu.memory_space<vmem>>)
      %run_scoped3A_127 = arith.constant 1 : i32
      "tpu.region"() ({
        %run_scoped3A_141 = tpu.sem_alloc : memref<!tpu.dma_semaphore, #tpu.memory_space<semaphore_mem>>
        %dma_start3A_142 = arith.constant 0 : i32
        %dma_start3A_143 = arith.constant 0 : i32
        %dma_start3A_144 = tpu.memref_slice %arg8[%run_scoped3A_127, %dma_start3A_142, %dma_start3A_143] : memref<2x80x128xf32, #tpu.memory_space<vmem>> -> memref<1x80x128xf32, #tpu.memory_space<vmem>>
        %dma_start3A_145 = tpu.memref_squeeze %dma_start3A_144 : memref<1x80x128xf32, #tpu.memory_space<vmem>> -> memref<80x128xf32, #tpu.memory_space<vmem>>
        %dma_start3A_146 = arith.constant 0 : i32
        %dma_start3A_147 = tpu.memref_slice %arg7[%add3A_115, %dma_start3A_146] : memref<125x80xi32, #tpu.memory_space<vmem>> -> memref<1x80xi32, #tpu.memory_space<vmem>>
        %dma_start3A_148 = tpu.memref_squeeze %dma_start3A_147 : memref<1x80xi32, #tpu.memory_space<vmem>> -> memref<80xi32, #tpu.memory_space<vmem>>
        %dma_start3A_149 = arith.constant 0 : i32
        %dma_start3A_150 = arith.constant 0 : i32
        %dma_start3A_151 = tpu.memref_slice %arg9[%dma_start3A_149, %dma_start3A_150] : memref<10000x128xf32, #tpu.memory_space<vmem_shared>> -> memref<10000x128xf32, #tpu.memory_space<vmem_shared>>
        tpu.enqueue_indirect_dma source(%dma_start3A_145 : memref<80x128xf32, #tpu.memory_space<vmem>>) target(%dma_start3A_151 : memref<10000x128xf32, #tpu.memory_space<vmem_shared>>) offsets(%dma_start3A_148 : memref<80xi32, #tpu.memory_space<vmem>>) semaphore(%run_scoped3A_141 : memref<!tpu.dma_semaphore, #tpu.memory_space<semaphore_mem>>) {add = true}
        %dma_wait3A_152 = arith.constant 0 : i32
        %dma_wait3A_153 = arith.constant 0 : i32
        %dma_wait3A_154 = tpu.memref_slice %arg8[%run_scoped3A_127, %dma_wait3A_152, %dma_wait3A_153] : memref<2x80x128xf32, #tpu.memory_space<vmem>> -> memref<1x80x128xf32, #tpu.memory_space<vmem>>
        %dma_wait3A_155 = tpu.memref_squeeze %dma_wait3A_154 : memref<1x80x128xf32, #tpu.memory_space<vmem>> -> memref<80x128xf32, #tpu.memory_space<vmem>>
        %dma_wait3A_156 = arith.constant 0 : i32
        %dma_wait3A_157 = tpu.memref_slice %arg7[%add3A_115, %dma_wait3A_156] : memref<125x80xi32, #tpu.memory_space<vmem>> -> memref<1x80xi32, #tpu.memory_space<vmem>>
        %dma_wait3A_158 = tpu.memref_squeeze %dma_wait3A_157 : memref<1x80xi32, #tpu.memory_space<vmem>> -> memref<80xi32, #tpu.memory_space<vmem>>
        %dma_wait3A_159 = arith.constant 0 : i32
        %dma_wait3A_160 = arith.constant 0 : i32
        %dma_wait3A_161 = tpu.memref_slice %arg9[%dma_wait3A_159, %dma_wait3A_160] : memref<10000x128xf32, #tpu.memory_space<vmem_shared>> -> memref<10000x128xf32, #tpu.memory_space<vmem_shared>>
        tpu.wait_indirect_dma semaphore(%run_scoped3A_141 : memref<!tpu.dma_semaphore, #tpu.memory_space<semaphore_mem>>) src(%dma_wait3A_155 : memref<80x128xf32, #tpu.memory_space<vmem>>) dst(%dma_wait3A_161 : memref<10000x128xf32, #tpu.memory_space<vmem_shared>>)
        tpu.yield
      }) : () -> ()
      %add3A_128 = arith.constant 2 : i32
      %add3A_129 = arith.addi %add3A_115, %add3A_128 : i32
      %mul3A_130 = arith.constant 80 : i32
      %mul3A_131 = arith.muli %add3A_129, %mul3A_130 : i32
      %dma_start3A_132 = arith.constant 1 : i32
      %dma_start3A_133 = arith.constant 0 : i32
      %dma_start3A_134 = arith.constant 0 : i32
      %dma_start3A_135 = tpu.memref_slice %arg8[%dma_start3A_132, %dma_start3A_133, %dma_start3A_134] : memref<2x80x128xf32, #tpu.memory_space<vmem>> -> memref<1x80x128xf32, #tpu.memory_space<vmem>>
      %dma_start3A_136 = tpu.memref_squeeze %dma_start3A_135 : memref<1x80x128xf32, #tpu.memory_space<vmem>> -> memref<80x128xf32, #tpu.memory_space<vmem>>
      %dma_start3A_137 = tpu.memref_slice %arg6[%mul3A_131] : memref<10000xi32, #tpu.memory_space<vmem>> -> memref<80xi32, #tpu.memory_space<vmem>>
      %dma_start3A_138 = arith.constant 0 : i32
      %dma_start3A_139 = arith.constant 0 : i32
      %dma_start3A_140 = tpu.memref_slice %arg2[%dma_start3A_138, %dma_start3A_139] : memref<10000x128xf32, #tpu.memory_space<hbm>> -> memref<10000x128xf32, #tpu.memory_space<hbm>>
      tpu.enqueue_indirect_dma source(%dma_start3A_140 : memref<10000x128xf32, #tpu.memory_space<hbm>>) target(%dma_start3A_136 : memref<80x128xf32, #tpu.memory_space<vmem>>) offsets(%dma_start3A_137 : memref<80xi32, #tpu.memory_space<vmem>>) semaphore(%arg11 : memref<!tpu.dma_semaphore, #tpu.memory_space<semaphore_mem>>)
    }
    %scan3A_27 = arith.constant 61 : i32
    %dma_wait3A = arith.constant 0 : i32
    %dma_wait3A_28 = arith.constant 0 : i32
    %dma_wait3A_29 = arith.constant 0 : i32
    %dma_wait3A_30 = tpu.memref_slice %arg8[%dma_wait3A, %dma_wait3A_28, %dma_wait3A_29] : memref<2x80x128xf32, #tpu.memory_space<vmem>> -> memref<1x80x128xf32, #tpu.memory_space<vmem>>
    %dma_wait3A_31 = tpu.memref_squeeze %dma_wait3A_30 : memref<1x80x128xf32, #tpu.memory_space<vmem>> -> memref<80x128xf32, #tpu.memory_space<vmem>>
    %dma_wait3A_32 = arith.constant 9760 : i32
    %dma_wait3A_33 = tpu.memref_slice %arg6[%dma_wait3A_32] : memref<10000xi32, #tpu.memory_space<vmem>> -> memref<80xi32, #tpu.memory_space<vmem>>
    %dma_wait3A_34 = arith.constant 0 : i32
    %dma_wait3A_35 = arith.constant 0 : i32
    %dma_wait3A_36 = tpu.memref_slice %arg2[%dma_wait3A_34, %dma_wait3A_35] : memref<10000x128xf32, #tpu.memory_space<hbm>> -> memref<10000x128xf32, #tpu.memory_space<hbm>>
    tpu.wait_indirect_dma semaphore(%arg10 : memref<!tpu.dma_semaphore, #tpu.memory_space<semaphore_mem>>) src(%dma_wait3A_36 : memref<10000x128xf32, #tpu.memory_space<hbm>>) dst(%dma_wait3A_31 : memref<80x128xf32, #tpu.memory_space<vmem>>)
    %run_scoped3A = arith.constant 0 : i32
    %run_scoped3A_37 = arith.constant 122 : i32
    "tpu.region"() ({
      %run_scoped3A_78 = tpu.sem_alloc : memref<!tpu.dma_semaphore, #tpu.memory_space<semaphore_mem>>
      %dma_start3A_79 = arith.constant 0 : i32
      %dma_start3A_80 = arith.constant 0 : i32
      %dma_start3A_81 = tpu.memref_slice %arg8[%run_scoped3A, %dma_start3A_79, %dma_start3A_80] : memref<2x80x128xf32, #tpu.memory_space<vmem>> -> memref<1x80x128xf32, #tpu.memory_space<vmem>>
      %dma_start3A_82 = tpu.memref_squeeze %dma_start3A_81 : memref<1x80x128xf32, #tpu.memory_space<vmem>> -> memref<80x128xf32, #tpu.memory_space<vmem>>
      %dma_start3A_83 = arith.constant 0 : i32
      %dma_start3A_84 = tpu.memref_slice %arg7[%run_scoped3A_37, %dma_start3A_83] : memref<125x80xi32, #tpu.memory_space<vmem>> -> memref<1x80xi32, #tpu.memory_space<vmem>>
      %dma_start3A_85 = tpu.memref_squeeze %dma_start3A_84 : memref<1x80xi32, #tpu.memory_space<vmem>> -> memref<80xi32, #tpu.memory_space<vmem>>
      %dma_start3A_86 = arith.constant 0 : i32
      %dma_start3A_87 = arith.constant 0 : i32
      %dma_start3A_88 = tpu.memref_slice %arg9[%dma_start3A_86, %dma_start3A_87] : memref<10000x128xf32, #tpu.memory_space<vmem_shared>> -> memref<10000x128xf32, #tpu.memory_space<vmem_shared>>
      tpu.enqueue_indirect_dma source(%dma_start3A_82 : memref<80x128xf32, #tpu.memory_space<vmem>>) target(%dma_start3A_88 : memref<10000x128xf32, #tpu.memory_space<vmem_shared>>) offsets(%dma_start3A_85 : memref<80xi32, #tpu.memory_space<vmem>>) semaphore(%run_scoped3A_78 : memref<!tpu.dma_semaphore, #tpu.memory_space<semaphore_mem>>) {add = true}
      %dma_wait3A_89 = arith.constant 0 : i32
      %dma_wait3A_90 = arith.constant 0 : i32
      %dma_wait3A_91 = tpu.memref_slice %arg8[%run_scoped3A, %dma_wait3A_89, %dma_wait3A_90] : memref<2x80x128xf32, #tpu.memory_space<vmem>> -> memref<1x80x128xf32, #tpu.memory_space<vmem>>
      %dma_wait3A_92 = tpu.memref_squeeze %dma_wait3A_91 : memref<1x80x128xf32, #tpu.memory_space<vmem>> -> memref<80x128xf32, #tpu.memory_space<vmem>>
      %dma_wait3A_93 = arith.constant 0 : i32
      %dma_wait3A_94 = tpu.memref_slice %arg7[%run_scoped3A_37, %dma_wait3A_93] : memref<125x80xi32, #tpu.memory_space<vmem>> -> memref<1x80xi32, #tpu.memory_space<vmem>>
      %dma_wait3A_95 = tpu.memref_squeeze %dma_wait3A_94 : memref<1x80xi32, #tpu.memory_space<vmem>> -> memref<80xi32, #tpu.memory_space<vmem>>
      %dma_wait3A_96 = arith.constant 0 : i32
      %dma_wait3A_97 = arith.constant 0 : i32
      %dma_wait3A_98 = tpu.memref_slice %arg9[%dma_wait3A_96, %dma_wait3A_97] : memref<10000x128xf32, #tpu.memory_space<vmem_shared>> -> memref<10000x128xf32, #tpu.memory_space<vmem_shared>>
      tpu.wait_indirect_dma semaphore(%run_scoped3A_78 : memref<!tpu.dma_semaphore, #tpu.memory_space<semaphore_mem>>) src(%dma_wait3A_92 : memref<80x128xf32, #tpu.memory_space<vmem>>) dst(%dma_wait3A_98 : memref<10000x128xf32, #tpu.memory_space<vmem_shared>>)
      tpu.yield
    }) : () -> ()
    %dma_start3A_38 = arith.constant 0 : i32
    %dma_start3A_39 = arith.constant 0 : i32
    %dma_start3A_40 = arith.constant 0 : i32
    %dma_start3A_41 = tpu.memref_slice %arg8[%dma_start3A_38, %dma_start3A_39, %dma_start3A_40] : memref<2x80x128xf32, #tpu.memory_space<vmem>> -> memref<1x80x128xf32, #tpu.memory_space<vmem>>
    %dma_start3A_42 = tpu.memref_squeeze %dma_start3A_41 : memref<1x80x128xf32, #tpu.memory_space<vmem>> -> memref<80x128xf32, #tpu.memory_space<vmem>>
    %dma_start3A_43 = arith.constant 9920 : i32
    %dma_start3A_44 = tpu.memref_slice %arg6[%dma_start3A_43] : memref<10000xi32, #tpu.memory_space<vmem>> -> memref<80xi32, #tpu.memory_space<vmem>>
    %dma_start3A_45 = arith.constant 0 : i32
    %dma_start3A_46 = arith.constant 0 : i32
    %dma_start3A_47 = tpu.memref_slice %arg2[%dma_start3A_45, %dma_start3A_46] : memref<10000x128xf32, #tpu.memory_space<hbm>> -> memref<10000x128xf32, #tpu.memory_space<hbm>>
    tpu.enqueue_indirect_dma source(%dma_start3A_47 : memref<10000x128xf32, #tpu.memory_space<hbm>>) target(%dma_start3A_42 : memref<80x128xf32, #tpu.memory_space<vmem>>) offsets(%dma_start3A_44 : memref<80xi32, #tpu.memory_space<vmem>>) semaphore(%arg10 : memref<!tpu.dma_semaphore, #tpu.memory_space<semaphore_mem>>)
    %dma_wait3A_48 = arith.constant 1 : i32
    %dma_wait3A_49 = arith.constant 0 : i32
    %dma_wait3A_50 = arith.constant 0 : i32
    %dma_wait3A_51 = tpu.memref_slice %arg8[%dma_wait3A_48, %dma_wait3A_49, %dma_wait3A_50] : memref<2x80x128xf32, #tpu.memory_space<vmem>> -> memref<1x80x128xf32, #tpu.memory_space<vmem>>
    %dma_wait3A_52 = tpu.memref_squeeze %dma_wait3A_51 : memref<1x80x128xf32, #tpu.memory_space<vmem>> -> memref<80x128xf32, #tpu.memory_space<vmem>>
    %dma_wait3A_53 = arith.constant 9840 : i32
    %dma_wait3A_54 = tpu.memref_slice %arg6[%dma_wait3A_53] : memref<10000xi32, #tpu.memory_space<vmem>> -> memref<80xi32, #tpu.memory_space<vmem>>
    %dma_wait3A_55 = arith.constant 0 : i32
    %dma_wait3A_56 = arith.constant 0 : i32
    %dma_wait3A_57 = tpu.memref_slice %arg2[%dma_wait3A_55, %dma_wait3A_56] : memref<10000x128xf32, #tpu.memory_space<hbm>> -> memref<10000x128xf32, #tpu.memory_space<hbm>>
    tpu.wait_indirect_dma semaphore(%arg11 : memref<!tpu.dma_semaphore, #tpu.memory_space<semaphore_mem>>) src(%dma_wait3A_57 : memref<10000x128xf32, #tpu.memory_space<hbm>>) dst(%dma_wait3A_52 : memref<80x128xf32, #tpu.memory_space<vmem>>)
    %run_scoped3A_58 = arith.constant 1 : i32
    %run_scoped3A_59 = arith.constant 123 : i32
    "tpu.region"() ({
      %run_scoped3A_78 = tpu.sem_alloc : memref<!tpu.dma_semaphore, #tpu.memory_space<semaphore_mem>>
      %dma_start3A_79 = arith.constant 0 : i32
      %dma_start3A_80 = arith.constant 0 : i32
      %dma_start3A_81 = tpu.memref_slice %arg8[%run_scoped3A_58, %dma_start3A_79, %dma_start3A_80] : memref<2x80x128xf32, #tpu.memory_space<vmem>> -> memref<1x80x128xf32, #tpu.memory_space<vmem>>
      %dma_start3A_82 = tpu.memref_squeeze %dma_start3A_81 : memref<1x80x128xf32, #tpu.memory_space<vmem>> -> memref<80x128xf32, #tpu.memory_space<vmem>>
      %dma_start3A_83 = arith.constant 0 : i32
      %dma_start3A_84 = tpu.memref_slice %arg7[%run_scoped3A_59, %dma_start3A_83] : memref<125x80xi32, #tpu.memory_space<vmem>> -> memref<1x80xi32, #tpu.memory_space<vmem>>
      %dma_start3A_85 = tpu.memref_squeeze %dma_start3A_84 : memref<1x80xi32, #tpu.memory_space<vmem>> -> memref<80xi32, #tpu.memory_space<vmem>>
      %dma_start3A_86 = arith.constant 0 : i32
      %dma_start3A_87 = arith.constant 0 : i32
      %dma_start3A_88 = tpu.memref_slice %arg9[%dma_start3A_86, %dma_start3A_87] : memref<10000x128xf32, #tpu.memory_space<vmem_shared>> -> memref<10000x128xf32, #tpu.memory_space<vmem_shared>>
      tpu.enqueue_indirect_dma source(%dma_start3A_82 : memref<80x128xf32, #tpu.memory_space<vmem>>) target(%dma_start3A_88 : memref<10000x128xf32, #tpu.memory_space<vmem_shared>>) offsets(%dma_start3A_85 : memref<80xi32, #tpu.memory_space<vmem>>) semaphore(%run_scoped3A_78 : memref<!tpu.dma_semaphore, #tpu.memory_space<semaphore_mem>>) {add = true}
      %dma_wait3A_89 = arith.constant 0 : i32
      %dma_wait3A_90 = arith.constant 0 : i32
      %dma_wait3A_91 = tpu.memref_slice %arg8[%run_scoped3A_58, %dma_wait3A_89, %dma_wait3A_90] : memref<2x80x128xf32, #tpu.memory_space<vmem>> -> memref<1x80x128xf32, #tpu.memory_space<vmem>>
      %dma_wait3A_92 = tpu.memref_squeeze %dma_wait3A_91 : memref<1x80x128xf32, #tpu.memory_space<vmem>> -> memref<80x128xf32, #tpu.memory_space<vmem>>
      %dma_wait3A_93 = arith.constant 0 : i32
      %dma_wait3A_94 = tpu.memref_slice %arg7[%run_scoped3A_59, %dma_wait3A_93] : memref<125x80xi32, #tpu.memory_space<vmem>> -> memref<1x80xi32, #tpu.memory_space<vmem>>
      %dma_wait3A_95 = tpu.memref_squeeze %dma_wait3A_94 : memref<1x80xi32, #tpu.memory_space<vmem>> -> memref<80xi32, #tpu.memory_space<vmem>>
      %dma_wait3A_96 = arith.constant 0 : i32
      %dma_wait3A_97 = arith.constant 0 : i32
      %dma_wait3A_98 = tpu.memref_slice %arg9[%dma_wait3A_96, %dma_wait3A_97] : memref<10000x128xf32, #tpu.memory_space<vmem_shared>> -> memref<10000x128xf32, #tpu.memory_space<vmem_shared>>
      tpu.wait_indirect_dma semaphore(%run_scoped3A_78 : memref<!tpu.dma_semaphore, #tpu.memory_space<semaphore_mem>>) src(%dma_wait3A_92 : memref<80x128xf32, #tpu.memory_space<vmem>>) dst(%dma_wait3A_98 : memref<10000x128xf32, #tpu.memory_space<vmem_shared>>)
      tpu.yield
    }) : () -> ()
    %dma_wait3A_60 = arith.constant 0 : i32
    %dma_wait3A_61 = arith.constant 0 : i32
    %dma_wait3A_62 = arith.constant 0 : i32
    %dma_wait3A_63 = tpu.memref_slice %arg8[%dma_wait3A_60, %dma_wait3A_61, %dma_wait3A_62] : memref<2x80x128xf32, #tpu.memory_space<vmem>> -> memref<1x80x128xf32, #tpu.memory_space<vmem>>
    %dma_wait3A_64 = tpu.memref_squeeze %dma_wait3A_63 : memref<1x80x128xf32, #tpu.memory_space<vmem>> -> memref<80x128xf32, #tpu.memory_space<vmem>>
    %dma_wait3A_65 = arith.constant 9920 : i32
    %dma_wait3A_66 = tpu.memref_slice %arg6[%dma_wait3A_65] : memref<10000xi32, #tpu.memory_space<vmem>> -> memref<80xi32, #tpu.memory_space<vmem>>
    %dma_wait3A_67 = arith.constant 0 : i32
    %dma_wait3A_68 = arith.constant 0 : i32
    %dma_wait3A_69 = tpu.memref_slice %arg2[%dma_wait3A_67, %dma_wait3A_68] : memref<10000x128xf32, #tpu.memory_space<hbm>> -> memref<10000x128xf32, #tpu.memory_space<hbm>>
    tpu.wait_indirect_dma semaphore(%arg10 : memref<!tpu.dma_semaphore, #tpu.memory_space<semaphore_mem>>) src(%dma_wait3A_69 : memref<10000x128xf32, #tpu.memory_space<hbm>>) dst(%dma_wait3A_64 : memref<80x128xf32, #tpu.memory_space<vmem>>)
    %run_scoped3A_70 = arith.constant 0 : i32
    %run_scoped3A_71 = arith.constant 124 : i32
    "tpu.region"() ({
      %run_scoped3A_78 = tpu.sem_alloc : memref<!tpu.dma_semaphore, #tpu.memory_space<semaphore_mem>>
      %dma_start3A_79 = arith.constant 0 : i32
      %dma_start3A_80 = arith.constant 0 : i32
      %dma_start3A_81 = tpu.memref_slice %arg8[%run_scoped3A_70, %dma_start3A_79, %dma_start3A_80] : memref<2x80x128xf32, #tpu.memory_space<vmem>> -> memref<1x80x128xf32, #tpu.memory_space<vmem>>
      %dma_start3A_82 = tpu.memref_squeeze %dma_start3A_81 : memref<1x80x128xf32, #tpu.memory_space<vmem>> -> memref<80x128xf32, #tpu.memory_space<vmem>>
      %dma_start3A_83 = arith.constant 0 : i32
      %dma_start3A_84 = tpu.memref_slice %arg7[%run_scoped3A_71, %dma_start3A_83] : memref<125x80xi32, #tpu.memory_space<vmem>> -> memref<1x80xi32, #tpu.memory_space<vmem>>
      %dma_start3A_85 = tpu.memref_squeeze %dma_start3A_84 : memref<1x80xi32, #tpu.memory_space<vmem>> -> memref<80xi32, #tpu.memory_space<vmem>>
      %dma_start3A_86 = arith.constant 0 : i32
      %dma_start3A_87 = arith.constant 0 : i32
      %dma_start3A_88 = tpu.memref_slice %arg9[%dma_start3A_86, %dma_start3A_87] : memref<10000x128xf32, #tpu.memory_space<vmem_shared>> -> memref<10000x128xf32, #tpu.memory_space<vmem_shared>>
      tpu.enqueue_indirect_dma source(%dma_start3A_82 : memref<80x128xf32, #tpu.memory_space<vmem>>) target(%dma_start3A_88 : memref<10000x128xf32, #tpu.memory_space<vmem_shared>>) offsets(%dma_start3A_85 : memref<80xi32, #tpu.memory_space<vmem>>) semaphore(%run_scoped3A_78 : memref<!tpu.dma_semaphore, #tpu.memory_space<semaphore_mem>>) {add = true}
      %dma_wait3A_89 = arith.constant 0 : i32
      %dma_wait3A_90 = arith.constant 0 : i32
      %dma_wait3A_91 = tpu.memref_slice %arg8[%run_scoped3A_70, %dma_wait3A_89, %dma_wait3A_90] : memref<2x80x128xf32, #tpu.memory_space<vmem>> -> memref<1x80x128xf32, #tpu.memory_space<vmem>>
      %dma_wait3A_92 = tpu.memref_squeeze %dma_wait3A_91 : memref<1x80x128xf32, #tpu.memory_space<vmem>> -> memref<80x128xf32, #tpu.memory_space<vmem>>
      %dma_wait3A_93 = arith.constant 0 : i32
      %dma_wait3A_94 = tpu.memref_slice %arg7[%run_scoped3A_71, %dma_wait3A_93] : memref<125x80xi32, #tpu.memory_space<vmem>> -> memref<1x80xi32, #tpu.memory_space<vmem>>
      %dma_wait3A_95 = tpu.memref_squeeze %dma_wait3A_94 : memref<1x80xi32, #tpu.memory_space<vmem>> -> memref<80xi32, #tpu.memory_space<vmem>>
      %dma_wait3A_96 = arith.constant 0 : i32
      %dma_wait3A_97 = arith.constant 0 : i32
      %dma_wait3A_98 = tpu.memref_slice %arg9[%dma_wait3A_96, %dma_wait3A_97] : memref<10000x128xf32, #tpu.memory_space<vmem_shared>> -> memref<10000x128xf32, #tpu.memory_space<vmem_shared>>
      tpu.wait_indirect_dma semaphore(%run_scoped3A_78 : memref<!tpu.dma_semaphore, #tpu.memory_space<semaphore_mem>>) src(%dma_wait3A_92 : memref<80x128xf32, #tpu.memory_space<vmem>>) dst(%dma_wait3A_98 : memref<10000x128xf32, #tpu.memory_space<vmem_shared>>)
      tpu.yield
    }) : () -> ()
    %barrier3A_72 = arith.constant 0 : index
    tpu.barrier barrier_id(%barrier3A_72)
    "tpu.region"() ({
      %run_scoped3A_78 = tpu.sem_alloc : memref<!tpu.dma_semaphore, #tpu.memory_space<semaphore_mem>>
      %dma_start3A_79 = arith.constant 0 : i32
      %dma_start3A_80 = tpu.memref_slice %arg5[%arg0, %mul3A_2, %dma_start3A_79] : memref<2x10000x128xf32, #tpu.memory_space<hbm>> -> memref<1x624x128xf32, #tpu.memory_space<hbm>>
      %dma_start3A_81 = tpu.memref_squeeze %dma_start3A_80 : memref<1x624x128xf32, #tpu.memory_space<hbm>> -> memref<624x128xf32, #tpu.memory_space<hbm>>
      %dma_start3A_82 = arith.constant 0 : i32
      %dma_start3A_83 = tpu.memref_slice %arg9[%mul3A_2, %dma_start3A_82] : memref<10000x128xf32, #tpu.memory_space<vmem_shared>> -> memref<624x128xf32, #tpu.memory_space<vmem_shared>>
      tpu.enqueue_dma source(%dma_start3A_83 : memref<624x128xf32, #tpu.memory_space<vmem_shared>>) target(%dma_start3A_81 : memref<624x128xf32, #tpu.memory_space<hbm>>) target_semaphore(%run_scoped3A_78 : memref<!tpu.dma_semaphore, #tpu.memory_space<semaphore_mem>>)
      %dma_wait3A_84 = arith.constant 0 : i32
      %dma_wait3A_85 = tpu.memref_slice %arg5[%arg0, %mul3A_2, %dma_wait3A_84] : memref<2x10000x128xf32, #tpu.memory_space<hbm>> -> memref<1x624x128xf32, #tpu.memory_space<hbm>>
      %dma_wait3A_86 = tpu.memref_squeeze %dma_wait3A_85 : memref<1x624x128xf32, #tpu.memory_space<hbm>> -> memref<624x128xf32, #tpu.memory_space<hbm>>
      %dma_wait3A_87 = arith.constant 0 : i32
      %dma_wait3A_88 = tpu.memref_slice %arg9[%mul3A_2, %dma_wait3A_87] : memref<10000x128xf32, #tpu.memory_space<vmem_shared>> -> memref<624x128xf32, #tpu.memory_space<vmem_shared>>
      tpu.wait_dma2 semaphore(%run_scoped3A_78 : memref<!tpu.dma_semaphore, #tpu.memory_space<semaphore_mem>>) src(%dma_wait3A_88 : memref<624x128xf32, #tpu.memory_space<vmem_shared>>) dst(%dma_wait3A_86 : memref<624x128xf32, #tpu.memory_space<hbm>>)
      tpu.yield
    }) : () -> ()
    %eq3A_73 = arith.constant 15 : i32
    %eq3A_74 = arith.cmpi eq, %arg1, %eq3A_73 : i32
    %convert_element_type3A_75 = arith.extui %eq3A_74 : i1 to i32
    %cond3A_76 = arith.constant 0 : i32
    %cond3A_77 = arith.cmpi ne, %convert_element_type3A_75, %cond3A_76 : i32
    scf.if %cond3A_77 {
      "tpu.region"() ({
        %run_scoped3A_78 = tpu.sem_alloc : memref<!tpu.dma_semaphore, #tpu.memory_space<semaphore_mem>>
        %dma_start3A_79 = arith.constant 9984 : i32
        %dma_start3A_80 = arith.constant 0 : i32
        %dma_start3A_81 = tpu.memref_slice %arg5[%arg0, %dma_start3A_79, %dma_start3A_80] : memref<2x10000x128xf32, #tpu.memory_space<hbm>> -> memref<1x16x128xf32, #tpu.memory_space<hbm>>
        %dma_start3A_82 = tpu.memref_squeeze %dma_start3A_81 : memref<1x16x128xf32, #tpu.memory_space<hbm>> -> memref<16x128xf32, #tpu.memory_space<hbm>>
        %dma_start3A_83 = arith.constant 9984 : i32
        %dma_start3A_84 = arith.constant 0 : i32
        %dma_start3A_85 = tpu.memref_slice %arg9[%dma_start3A_83, %dma_start3A_84] : memref<10000x128xf32, #tpu.memory_space<vmem_shared>> -> memref<16x128xf32, #tpu.memory_space<vmem_shared>>
        tpu.enqueue_dma source(%dma_start3A_85 : memref<16x128xf32, #tpu.memory_space<vmem_shared>>) target(%dma_start3A_82 : memref<16x128xf32, #tpu.memory_space<hbm>>) target_semaphore(%run_scoped3A_78 : memref<!tpu.dma_semaphore, #tpu.memory_space<semaphore_mem>>)
        %dma_wait3A_86 = arith.constant 9984 : i32
        %dma_wait3A_87 = arith.constant 0 : i32
        %dma_wait3A_88 = tpu.memref_slice %arg5[%arg0, %dma_wait3A_86, %dma_wait3A_87] : memref<2x10000x128xf32, #tpu.memory_space<hbm>> -> memref<1x16x128xf32, #tpu.memory_space<hbm>>
        %dma_wait3A_89 = tpu.memref_squeeze %dma_wait3A_88 : memref<1x16x128xf32, #tpu.memory_space<hbm>> -> memref<16x128xf32, #tpu.memory_space<hbm>>
        %dma_wait3A_90 = arith.constant 9984 : i32
        %dma_wait3A_91 = arith.constant 0 : i32
        %dma_wait3A_92 = tpu.memref_slice %arg9[%dma_wait3A_90, %dma_wait3A_91] : memref<10000x128xf32, #tpu.memory_space<vmem_shared>> -> memref<16x128xf32, #tpu.memory_space<vmem_shared>>
        tpu.wait_dma2 semaphore(%run_scoped3A_78 : memref<!tpu.dma_semaphore, #tpu.memory_space<semaphore_mem>>) src(%dma_wait3A_92 : memref<16x128xf32, #tpu.memory_space<vmem_shared>>) dst(%dma_wait3A_89 : memref<16x128xf32, #tpu.memory_space<hbm>>)
        tpu.yield
      }) : () -> ()
    } else {
    }
    return
  }
}

#map = affine_map<(d0, d1) -> (0, 0)>
#map1 = affine_map<(d0, d1) -> (0, 0, 0)>
module attributes {stable_mosaic.version = 14 : i64} {
  func.func @agg(%arg0: i32, %arg1: i32, %arg2: memref<10000x128xf32, #tpu.memory_space<hbm>>, %arg3: memref<32x10000xi32, #tpu.memory_space<hbm>>, %arg4: memref<32x125x80xi32, #tpu.memory_space<hbm>>, %arg5: memref<2x10000x128xf32, #tpu.memory_space<hbm>>, %arg6: memref<10000xi32, #tpu.memory_space<vmem>>, %arg7: memref<125x80xi32, #tpu.memory_space<vmem>>, %arg8: memref<2x80x128xf32, #tpu.memory_space<vmem>>, %arg9: memref<10000x128xf32, #tpu.memory_space<vmem_shared>>, %arg10: memref<!tpu.dma_semaphore, #tpu.memory_space<semaphore_mem>>, %arg11: memref<!tpu.dma_semaphore, #tpu.memory_space<semaphore_mem>>) attributes {dimension_semantics = [#tpu.dimension_semantics<core_parallel>, #tpu.dimension_semantics<subcore_parallel>], iteration_bounds = array<i64: 2, 16>, scalar_prefetch = 0 : i64, scratch_operands = 6 : i64, tpu.core_type = #tpu.core_type<sc_vector_subcore>, window_params = [{transform_indices = #map}, {transform_indices = #map}, {transform_indices = #map1}, {transform_indices = #map1}]} {
    %mul3A = arith.constant 2 : i32
    %mul3A_0 = arith.muli %arg1, %mul3A : i32
    %add3A = arith.addi %mul3A_0, %arg0 : i32
    "tpu.region"() ({
      %run_scoped3A_78 = tpu.sem_alloc : memref<!tpu.dma_semaphore, #tpu.memory_space<semaphore_mem>>
      %dma_start3A_79 = arith.constant 0 : i32
      %dma_start3A_80 = tpu.memref_slice %arg3[%add3A, %dma_start3A_79] : memref<32x10000xi32, #tpu.memory_space<hbm>> -> memref<1x10000xi32, #tpu.memory_space<hbm>>
      %dma_start3A_81 = tpu.memref_squeeze %dma_start3A_80 : memref<1x10000xi32, #tpu.memory_space<hbm>> -> memref<10000xi32, #tpu.memory_space<hbm>>
      %dma_start3A_82 = arith.constant 0 : i32
      %dma_start3A_83 = tpu.memref_slice %arg3[%add3A, %dma_start3A_82] : memref<32x10000xi32, #tpu.memory_space<hbm>> -> memref<1x10000xi32, #tpu.memory_space<hbm>>
      %dma_start3A_84 = tpu.memref_squeeze %dma_start3A_83 : memref<1x10000xi32, #tpu.memory_space<hbm>> -> memref<10000xi32, #tpu.memory_space<hbm>>
      tpu.enqueue_dma source(%dma_start3A_84 : memref<10000xi32, #tpu.memory_space<hbm>>) target(%arg6 : memref<10000xi32, #tpu.memory_space<vmem>>) target_semaphore(%run_scoped3A_78 : memref<!tpu.dma_semaphore, #tpu.memory_space<semaphore_mem>>)
      %dma_wait3A_85 = arith.constant 0 : i32
      %dma_wait3A_86 = tpu.memref_slice %arg3[%add3A, %dma_wait3A_85] : memref<32x10000xi32, #tpu.memory_space<hbm>> -> memref<1x10000xi32, #tpu.memory_space<hbm>>
      %dma_wait3A_87 = tpu.memref_squeeze %dma_wait3A_86 : memref<1x10000xi32, #tpu.memory_space<hbm>> -> memref<10000xi32, #tpu.memory_space<hbm>>
      %dma_wait3A_88 = arith.constant 0 : i32
      %dma_wait3A_89 = tpu.memref_slice %arg3[%add3A, %dma_wait3A_88] : memref<32x10000xi32, #tpu.memory_space<hbm>> -> memref<1x10000xi32, #tpu.memory_space<hbm>>
      %dma_wait3A_90 = tpu.memref_squeeze %dma_wait3A_89 : memref<1x10000xi32, #tpu.memory_space<hbm>> -> memref<10000xi32, #tpu.memory_space<hbm>>
      tpu.wait_dma2 semaphore(%run_scoped3A_78 : memref<!tpu.dma_semaphore, #tpu.memory_space<semaphore_mem>>) src(%dma_wait3A_90 : memref<10000xi32, #tpu.memory_space<hbm>>) dst(%arg6 : memref<10000xi32, #tpu.memory_space<vmem>>)
      tpu.yield
    }) : () -> ()
    "tpu.region"() ({
      %run_scoped3A_78 = tpu.sem_alloc : memref<!tpu.dma_semaphore, #tpu.memory_space<semaphore_mem>>
      %dma_start3A_79 = arith.constant 0 : i32
      %dma_start3A_80 = arith.constant 0 : i32
      %dma_start3A_81 = tpu.memref_slice %arg4[%add3A, %dma_start3A_79, %dma_start3A_80] : memref<32x125x80xi32, #tpu.memory_space<hbm>> -> memref<1x125x80xi32, #tpu.memory_space<hbm>>
      %dma_start3A_82 = tpu.memref_squeeze %dma_start3A_81 : memref<1x125x80xi32, #tpu.memory_space<hbm>> -> memref<125x80xi32, #tpu.memory_space<hbm>>
      %dma_start3A_83 = arith.constant 0 : i32
      %dma_start3A_84 = arith.constant 0 : i32
      %dma_start3A_85 = tpu.memref_slice %arg4[%add3A, %dma_start3A_83, %dma_start3A_84] : memref<32x125x80xi32, #tpu.memory_space<hbm>> -> memref<1x125x80xi32, #tpu.memory_space<hbm>>
      %dma_start3A_86 = tpu.memref_squeeze %dma_start3A_85 : memref<1x125x80xi32, #tpu.memory_space<hbm>> -> memref<125x80xi32, #tpu.memory_space<hbm>>
      tpu.enqueue_dma source(%dma_start3A_86 : memref<125x80xi32, #tpu.memory_space<hbm>>) target(%arg7 : memref<125x80xi32, #tpu.memory_space<vmem>>) target_semaphore(%run_scoped3A_78 : memref<!tpu.dma_semaphore, #tpu.memory_space<semaphore_mem>>)
      %dma_wait3A_87 = arith.constant 0 : i32
      %dma_wait3A_88 = arith.constant 0 : i32
      %dma_wait3A_89 = tpu.memref_slice %arg4[%add3A, %dma_wait3A_87, %dma_wait3A_88] : memref<32x125x80xi32, #tpu.memory_space<hbm>> -> memref<1x125x80xi32, #tpu.memory_space<hbm>>
      %dma_wait3A_90 = tpu.memref_squeeze %dma_wait3A_89 : memref<1x125x80xi32, #tpu.memory_space<hbm>> -> memref<125x80xi32, #tpu.memory_space<hbm>>
      %dma_wait3A_91 = arith.constant 0 : i32
      %dma_wait3A_92 = arith.constant 0 : i32
      %dma_wait3A_93 = tpu.memref_slice %arg4[%add3A, %dma_wait3A_91, %dma_wait3A_92] : memref<32x125x80xi32, #tpu.memory_space<hbm>> -> memref<1x125x80xi32, #tpu.memory_space<hbm>>
      %dma_wait3A_94 = tpu.memref_squeeze %dma_wait3A_93 : memref<1x125x80xi32, #tpu.memory_space<hbm>> -> memref<125x80xi32, #tpu.memory_space<hbm>>
      tpu.wait_dma2 semaphore(%run_scoped3A_78 : memref<!tpu.dma_semaphore, #tpu.memory_space<semaphore_mem>>) src(%dma_wait3A_94 : memref<125x80xi32, #tpu.memory_space<hbm>>) dst(%arg7 : memref<125x80xi32, #tpu.memory_space<vmem>>)
      tpu.yield
    }) : () -> ()
    %mul3A_1 = arith.constant 624 : i32
    %mul3A_2 = arith.muli %arg1, %mul3A_1 : i32
    "tpu.region"() ({
      %run_scoped3A_78 = tpu.sem_alloc : memref<!tpu.dma_semaphore, #tpu.memory_space<semaphore_mem>>
      %dma_start3A_79 = arith.constant 0 : i32
      %dma_start3A_80 = tpu.memref_slice %arg9[%mul3A_2, %dma_start3A_79] : memref<10000x128xf32, #tpu.memory_space<vmem_shared>> -> memref<624x128xf32, #tpu.memory_space<vmem_shared>>
      %dma_start3A_81 = arith.constant 0 : i32
      %dma_start3A_82 = tpu.memref_slice %arg2[%mul3A_2, %dma_start3A_81] : memref<10000x128xf32, #tpu.memory_space<hbm>> -> memref<624x128xf32, #tpu.memory_space<hbm>>
      tpu.enqueue_dma source(%dma_start3A_82 : memref<624x128xf32, #tpu.memory_space<hbm>>) target(%dma_start3A_80 : memref<624x128xf32, #tpu.memory_space<vmem_shared>>) target_semaphore(%run_scoped3A_78 : memref<!tpu.dma_semaphore, #tpu.memory_space<semaphore_mem>>)
      %dma_wait3A_83 = arith.constant 0 : i32
      %dma_wait3A_84 = tpu.memref_slice %arg9[%mul3A_2, %dma_wait3A_83] : memref<10000x128xf32, #tpu.memory_space<vmem_shared>> -> memref<624x128xf32, #tpu.memory_space<vmem_shared>>
      %dma_wait3A_85 = arith.constant 0 : i32
      %dma_wait3A_86 = tpu.memref_slice %arg2[%mul3A_2, %dma_wait3A_85] : memref<10000x128xf32, #tpu.memory_space<hbm>> -> memref<624x128xf32, #tpu.memory_space<hbm>>
      tpu.wait_dma2 semaphore(%run_scoped3A_78 : memref<!tpu.dma_semaphore, #tpu.memory_space<semaphore_mem>>) src(%dma_wait3A_86 : memref<624x128xf32, #tpu.memory_space<hbm>>) dst(%dma_wait3A_84 : memref<624x128xf32, #tpu.memory_space<vmem_shared>>)
      tpu.yield
    }) : () -> ()
    %eq3A = arith.constant 15 : i32
    %eq3A_3 = arith.cmpi eq, %arg1, %eq3A : i32
    %convert_element_type3A = arith.extui %eq3A_3 : i1 to i32
    %cond3A = arith.constant 0 : i32
    %cond3A_4 = arith.cmpi ne, %convert_element_type3A, %cond3A : i32
    scf.if %cond3A_4 {
      "tpu.region"() ({
        %run_scoped3A_78 = tpu.sem_alloc : memref<!tpu.dma_semaphore, #tpu.memory_space<semaphore_mem>>
        %dma_start3A_79 = arith.constant 9984 : i32
        %dma_start3A_80 = arith.constant 0 : i32
        %dma_start3A_81 = tpu.memref_slice %arg9[%dma_start3A_79, %dma_start3A_80] : memref<10000x128xf32, #tpu.memory_space<vmem_shared>> -> memref<16x128xf32, #tpu.memory_space<vmem_shared>>
        %dma_start3A_82 = arith.constant 9984 : i32
        %dma_start3A_83 = arith.constant 0 : i32
        %dma_start3A_84 = tpu.memref_slice %arg2[%dma_start3A_82, %dma_start3A_83] : memref<10000x128xf32, #tpu.memory_space<hbm>> -> memref<16x128xf32, #tpu.memory_space<hbm>>
        tpu.enqueue_dma source(%dma_start3A_84 : memref<16x128xf32, #tpu.memory_space<hbm>>) target(%dma_start3A_81 : memref<16x128xf32, #tpu.memory_space<vmem_shared>>) target_semaphore(%run_scoped3A_78 : memref<!tpu.dma_semaphore, #tpu.memory_space<semaphore_mem>>)
        %dma_wait3A_85 = arith.constant 9984 : i32
        %dma_wait3A_86 = arith.constant 0 : i32
        %dma_wait3A_87 = tpu.memref_slice %arg9[%dma_wait3A_85, %dma_wait3A_86] : memref<10000x128xf32, #tpu.memory_space<vmem_shared>> -> memref<16x128xf32, #tpu.memory_space<vmem_shared>>
        %dma_wait3A_88 = arith.constant 9984 : i32
        %dma_wait3A_89 = arith.constant 0 : i32
        %dma_wait3A_90 = tpu.memref_slice %arg2[%dma_wait3A_88, %dma_wait3A_89] : memref<10000x128xf32, #tpu.memory_space<hbm>> -> memref<16x128xf32, #tpu.memory_space<hbm>>
        tpu.wait_dma2 semaphore(%run_scoped3A_78 : memref<!tpu.dma_semaphore, #tpu.memory_space<semaphore_mem>>) src(%dma_wait3A_90 : memref<16x128xf32, #tpu.memory_space<hbm>>) dst(%dma_wait3A_87 : memref<16x128xf32, #tpu.memory_space<vmem_shared>>)
        tpu.yield
      }) : () -> ()
    } else {
    }
    %barrier3A = arith.constant 0 : index
    tpu.barrier barrier_id(%barrier3A)
    %dma_start3A = arith.constant 0 : i32
    %dma_start3A_5 = arith.constant 0 : i32
    %dma_start3A_6 = arith.constant 0 : i32
    %dma_start3A_7 = tpu.memref_slice %arg8[%dma_start3A, %dma_start3A_5, %dma_start3A_6] : memref<2x80x128xf32, #tpu.memory_space<vmem>> -> memref<1x80x128xf32, #tpu.memory_space<vmem>>
    %dma_start3A_8 = tpu.memref_squeeze %dma_start3A_7 : memref<1x80x128xf32, #tpu.memory_space<vmem>> -> memref<80x128xf32, #tpu.memory_space<vmem>>
    %dma_start3A_9 = arith.constant 0 : i32
    %dma_start3A_10 = tpu.memref_slice %arg6[%dma_start3A_9] : memref<10000xi32, #tpu.memory_space<vmem>> -> memref<80xi32, #tpu.memory_space<vmem>>
    %dma_start3A_11 = arith.constant 0 : i32
    %dma_start3A_12 = arith.constant 0 : i32
    %dma_start3A_13 = tpu.memref_slice %arg2[%dma_start3A_11, %dma_start3A_12] : memref<10000x128xf32, #tpu.memory_space<hbm>> -> memref<10000x128xf32, #tpu.memory_space<hbm>>
    tpu.enqueue_indirect_dma source(%dma_start3A_13 : memref<10000x128xf32, #tpu.memory_space<hbm>>) target(%dma_start3A_8 : memref<80x128xf32, #tpu.memory_space<vmem>>) offsets(%dma_start3A_10 : memref<80xi32, #tpu.memory_space<vmem>>) semaphore(%arg10 : memref<!tpu.dma_semaphore, #tpu.memory_space<semaphore_mem>>)
    %dma_start3A_14 = arith.constant 1 : i32
    %dma_start3A_15 = arith.constant 0 : i32
    %dma_start3A_16 = arith.constant 0 : i32
    %dma_start3A_17 = tpu.memref_slice %arg8[%dma_start3A_14, %dma_start3A_15, %dma_start3A_16] : memref<2x80x128xf32, #tpu.memory_space<vmem>> -> memref<1x80x128xf32, #tpu.memory_space<vmem>>
    %dma_start3A_18 = tpu.memref_squeeze %dma_start3A_17 : memref<1x80x128xf32, #tpu.memory_space<vmem>> -> memref<80x128xf32, #tpu.memory_space<vmem>>
    %dma_start3A_19 = arith.constant 80 : i32
    %dma_start3A_20 = tpu.memref_slice %arg6[%dma_start3A_19] : memref<10000xi32, #tpu.memory_space<vmem>> -> memref<80xi32, #tpu.memory_space<vmem>>
    %dma_start3A_21 = arith.constant 0 : i32
    %dma_start3A_22 = arith.constant 0 : i32
    %dma_start3A_23 = tpu.memref_slice %arg2[%dma_start3A_21, %dma_start3A_22] : memref<10000x128xf32, #tpu.memory_space<hbm>> -> memref<10000x128xf32, #tpu.memory_space<hbm>>
    tpu.enqueue_indirect_dma source(%dma_start3A_23 : memref<10000x128xf32, #tpu.memory_space<hbm>>) target(%dma_start3A_18 : memref<80x128xf32, #tpu.memory_space<vmem>>) offsets(%dma_start3A_20 : memref<80xi32, #tpu.memory_space<vmem>>) semaphore(%arg11 : memref<!tpu.dma_semaphore, #tpu.memory_space<semaphore_mem>>)
    %scan3A = arith.constant 0 : i32
    %scan3A_24 = arith.constant 61 : i32
    %scan3A_25 = arith.addi %scan3A, %scan3A_24 : i32
    %scan3A_26 = arith.constant 1 : i32
    scf.for %scan3A_78 = %scan3A to %scan3A_25 step %scan3A_26  : i32 {
      %mul3A_79 = arith.constant 1 : i32
      %mul3A_80 = arith.muli %scan3A_78, %mul3A_79 : i32
      %add3A_81 = arith.constant 0 : i32
      %add3A_82 = arith.addi %add3A_81, %mul3A_80 : i32
      %mul3A_83 = arith.constant 2 : i32
      %mul3A_84 = arith.muli %mul3A_83, %add3A_82 : i32
      %add3A_85 = arith.constant 0 : i32
      %add3A_86 = arith.addi %mul3A_84, %add3A_85 : i32
      %mul3A_87 = arith.constant 80 : i32
      %mul3A_88 = arith.muli %add3A_86, %mul3A_87 : i32
      %dma_wait3A_89 = arith.constant 0 : i32
      %dma_wait3A_90 = arith.constant 0 : i32
      %dma_wait3A_91 = arith.constant 0 : i32
      %dma_wait3A_92 = tpu.memref_slice %arg8[%dma_wait3A_89, %dma_wait3A_90, %dma_wait3A_91] : memref<2x80x128xf32, #tpu.memory_space<vmem>> -> memref<1x80x128xf32, #tpu.memory_space<vmem>>
      %dma_wait3A_93 = tpu.memref_squeeze %dma_wait3A_92 : memref<1x80x128xf32, #tpu.memory_space<vmem>> -> memref<80x128xf32, #tpu.memory_space<vmem>>
      %dma_wait3A_94 = tpu.memref_slice %arg6[%mul3A_88] : memref<10000xi32, #tpu.memory_space<vmem>> -> memref<80xi32, #tpu.memory_space<vmem>>
      %dma_wait3A_95 = arith.constant 0 : i32
      %dma_wait3A_96 = arith.constant 0 : i32
      %dma_wait3A_97 = tpu.memref_slice %arg2[%dma_wait3A_95, %dma_wait3A_96] : memref<10000x128xf32, #tpu.memory_space<hbm>> -> memref<10000x128xf32, #tpu.memory_space<hbm>>
      tpu.wait_indirect_dma semaphore(%arg10 : memref<!tpu.dma_semaphore, #tpu.memory_space<semaphore_mem>>) src(%dma_wait3A_97 : memref<10000x128xf32, #tpu.memory_space<hbm>>) dst(%dma_wait3A_93 : memref<80x128xf32, #tpu.memory_space<vmem>>)
      %run_scoped3A_98 = arith.constant 0 : i32
      "tpu.region"() ({
        %run_scoped3A_141 = tpu.sem_alloc : memref<!tpu.dma_semaphore, #tpu.memory_space<semaphore_mem>>
        %dma_start3A_142 = arith.constant 0 : i32
        %dma_start3A_143 = arith.constant 0 : i32
        %dma_start3A_144 = tpu.memref_slice %arg8[%run_scoped3A_98, %dma_start3A_142, %dma_start3A_143] : memref<2x80x128xf32, #tpu.memory_space<vmem>> -> memref<1x80x128xf32, #tpu.memory_space<vmem>>
        %dma_start3A_145 = tpu.memref_squeeze %dma_start3A_144 : memref<1x80x128xf32, #tpu.memory_space<vmem>> -> memref<80x128xf32, #tpu.memory_space<vmem>>
        %dma_start3A_146 = arith.constant 0 : i32
        %dma_start3A_147 = tpu.memref_slice %arg7[%add3A_86, %dma_start3A_146] : memref<125x80xi32, #tpu.memory_space<vmem>> -> memref<1x80xi32, #tpu.memory_space<vmem>>
        %dma_start3A_148 = tpu.memref_squeeze %dma_start3A_147 : memref<1x80xi32, #tpu.memory_space<vmem>> -> memref<80xi32, #tpu.memory_space<vmem>>
        %dma_start3A_149 = arith.constant 0 : i32
        %dma_start3A_150 = arith.constant 0 : i32
        %dma_start3A_151 = tpu.memref_slice %arg9[%dma_start3A_149, %dma_start3A_150] : memref<10000x128xf32, #tpu.memory_space<vmem_shared>> -> memref<10000x128xf32, #tpu.memory_space<vmem_shared>>
        tpu.enqueue_indirect_dma source(%dma_start3A_145 : memref<80x128xf32, #tpu.memory_space<vmem>>) target(%dma_start3A_151 : memref<10000x128xf32, #tpu.memory_space<vmem_shared>>) offsets(%dma_start3A_148 : memref<80xi32, #tpu.memory_space<vmem>>) semaphore(%run_scoped3A_141 : memref<!tpu.dma_semaphore, #tpu.memory_space<semaphore_mem>>) {add = true}
        %dma_wait3A_152 = arith.constant 0 : i32
        %dma_wait3A_153 = arith.constant 0 : i32
        %dma_wait3A_154 = tpu.memref_slice %arg8[%run_scoped3A_98, %dma_wait3A_152, %dma_wait3A_153] : memref<2x80x128xf32, #tpu.memory_space<vmem>> -> memref<1x80x128xf32, #tpu.memory_space<vmem>>
        %dma_wait3A_155 = tpu.memref_squeeze %dma_wait3A_154 : memref<1x80x128xf32, #tpu.memory_space<vmem>> -> memref<80x128xf32, #tpu.memory_space<vmem>>
        %dma_wait3A_156 = arith.constant 0 : i32
        %dma_wait3A_157 = tpu.memref_slice %arg7[%add3A_86, %dma_wait3A_156] : memref<125x80xi32, #tpu.memory_space<vmem>> -> memref<1x80xi32, #tpu.memory_space<vmem>>
        %dma_wait3A_158 = tpu.memref_squeeze %dma_wait3A_157 : memref<1x80xi32, #tpu.memory_space<vmem>> -> memref<80xi32, #tpu.memory_space<vmem>>
        %dma_wait3A_159 = arith.constant 0 : i32
        %dma_wait3A_160 = arith.constant 0 : i32
        %dma_wait3A_161 = tpu.memref_slice %arg9[%dma_wait3A_159, %dma_wait3A_160] : memref<10000x128xf32, #tpu.memory_space<vmem_shared>> -> memref<10000x128xf32, #tpu.memory_space<vmem_shared>>
        tpu.wait_indirect_dma semaphore(%run_scoped3A_141 : memref<!tpu.dma_semaphore, #tpu.memory_space<semaphore_mem>>) src(%dma_wait3A_155 : memref<80x128xf32, #tpu.memory_space<vmem>>) dst(%dma_wait3A_161 : memref<10000x128xf32, #tpu.memory_space<vmem_shared>>)
        tpu.yield
      }) : () -> ()
      %add3A_99 = arith.constant 2 : i32
      %add3A_100 = arith.addi %add3A_86, %add3A_99 : i32
      %mul3A_101 = arith.constant 80 : i32
      %mul3A_102 = arith.muli %add3A_100, %mul3A_101 : i32
      %dma_start3A_103 = arith.constant 0 : i32
      %dma_start3A_104 = arith.constant 0 : i32
      %dma_start3A_105 = arith.constant 0 : i32
      %dma_start3A_106 = tpu.memref_slice %arg8[%dma_start3A_103, %dma_start3A_104, %dma_start3A_105] : memref<2x80x128xf32, #tpu.memory_space<vmem>> -> memref<1x80x128xf32, #tpu.memory_space<vmem>>
      %dma_start3A_107 = tpu.memref_squeeze %dma_start3A_106 : memref<1x80x128xf32, #tpu.memory_space<vmem>> -> memref<80x128xf32, #tpu.memory_space<vmem>>
      %dma_start3A_108 = tpu.memref_slice %arg6[%mul3A_102] : memref<10000xi32, #tpu.memory_space<vmem>> -> memref<80xi32, #tpu.memory_space<vmem>>
      %dma_start3A_109 = arith.constant 0 : i32
      %dma_start3A_110 = arith.constant 0 : i32
      %dma_start3A_111 = tpu.memref_slice %arg2[%dma_start3A_109, %dma_start3A_110] : memref<10000x128xf32, #tpu.memory_space<hbm>> -> memref<10000x128xf32, #tpu.memory_space<hbm>>
      tpu.enqueue_indirect_dma source(%dma_start3A_111 : memref<10000x128xf32, #tpu.memory_space<hbm>>) target(%dma_start3A_107 : memref<80x128xf32, #tpu.memory_space<vmem>>) offsets(%dma_start3A_108 : memref<80xi32, #tpu.memory_space<vmem>>) semaphore(%arg10 : memref<!tpu.dma_semaphore, #tpu.memory_space<semaphore_mem>>)
      %mul3A_112 = arith.constant 2 : i32
      %mul3A_113 = arith.muli %mul3A_112, %add3A_82 : i32
      %add3A_114 = arith.constant 1 : i32
      %add3A_115 = arith.addi %mul3A_113, %add3A_114 : i32
      %mul3A_116 = arith.constant 80 : i32
      %mul3A_117 = arith.muli %add3A_115, %mul3A_116 : i32
      %dma_wait3A_118 = arith.constant 1 : i32
      %dma_wait3A_119 = arith.constant 0 : i32
      %dma_wait3A_120 = arith.constant 0 : i32
      %dma_wait3A_121 = tpu.memref_slice %arg8[%dma_wait3A_118, %dma_wait3A_119, %dma_wait3A_120] : memref<2x80x128xf32, #tpu.memory_space<vmem>> -> memref<1x80x128xf32, #tpu.memory_space<vmem>>
      %dma_wait3A_122 = tpu.memref_squeeze %dma_wait3A_121 : memref<1x80x128xf32, #tpu.memory_space<vmem>> -> memref<80x128xf32, #tpu.memory_space<vmem>>
      %dma_wait3A_123 = tpu.memref_slice %arg6[%mul3A_117] : memref<10000xi32, #tpu.memory_space<vmem>> -> memref<80xi32, #tpu.memory_space<vmem>>
      %dma_wait3A_124 = arith.constant 0 : i32
      %dma_wait3A_125 = arith.constant 0 : i32
      %dma_wait3A_126 = tpu.memref_slice %arg2[%dma_wait3A_124, %dma_wait3A_125] : memref<10000x128xf32, #tpu.memory_space<hbm>> -> memref<10000x128xf32, #tpu.memory_space<hbm>>
      tpu.wait_indirect_dma semaphore(%arg11 : memref<!tpu.dma_semaphore, #tpu.memory_space<semaphore_mem>>) src(%dma_wait3A_126 : memref<10000x128xf32, #tpu.memory_space<hbm>>) dst(%dma_wait3A_122 : memref<80x128xf32, #tpu.memory_space<vmem>>)
      %run_scoped3A_127 = arith.constant 1 : i32
      "tpu.region"() ({
        %run_scoped3A_141 = tpu.sem_alloc : memref<!tpu.dma_semaphore, #tpu.memory_space<semaphore_mem>>
        %dma_start3A_142 = arith.constant 0 : i32
        %dma_start3A_143 = arith.constant 0 : i32
        %dma_start3A_144 = tpu.memref_slice %arg8[%run_scoped3A_127, %dma_start3A_142, %dma_start3A_143] : memref<2x80x128xf32, #tpu.memory_space<vmem>> -> memref<1x80x128xf32, #tpu.memory_space<vmem>>
        %dma_start3A_145 = tpu.memref_squeeze %dma_start3A_144 : memref<1x80x128xf32, #tpu.memory_space<vmem>> -> memref<80x128xf32, #tpu.memory_space<vmem>>
        %dma_start3A_146 = arith.constant 0 : i32
        %dma_start3A_147 = tpu.memref_slice %arg7[%add3A_115, %dma_start3A_146] : memref<125x80xi32, #tpu.memory_space<vmem>> -> memref<1x80xi32, #tpu.memory_space<vmem>>
        %dma_start3A_148 = tpu.memref_squeeze %dma_start3A_147 : memref<1x80xi32, #tpu.memory_space<vmem>> -> memref<80xi32, #tpu.memory_space<vmem>>
        %dma_start3A_149 = arith.constant 0 : i32
        %dma_start3A_150 = arith.constant 0 : i32
        %dma_start3A_151 = tpu.memref_slice %arg9[%dma_start3A_149, %dma_start3A_150] : memref<10000x128xf32, #tpu.memory_space<vmem_shared>> -> memref<10000x128xf32, #tpu.memory_space<vmem_shared>>
        tpu.enqueue_indirect_dma source(%dma_start3A_145 : memref<80x128xf32, #tpu.memory_space<vmem>>) target(%dma_start3A_151 : memref<10000x128xf32, #tpu.memory_space<vmem_shared>>) offsets(%dma_start3A_148 : memref<80xi32, #tpu.memory_space<vmem>>) semaphore(%run_scoped3A_141 : memref<!tpu.dma_semaphore, #tpu.memory_space<semaphore_mem>>) {add = true}
        %dma_wait3A_152 = arith.constant 0 : i32
        %dma_wait3A_153 = arith.constant 0 : i32
        %dma_wait3A_154 = tpu.memref_slice %arg8[%run_scoped3A_127, %dma_wait3A_152, %dma_wait3A_153] : memref<2x80x128xf32, #tpu.memory_space<vmem>> -> memref<1x80x128xf32, #tpu.memory_space<vmem>>
        %dma_wait3A_155 = tpu.memref_squeeze %dma_wait3A_154 : memref<1x80x128xf32, #tpu.memory_space<vmem>> -> memref<80x128xf32, #tpu.memory_space<vmem>>
        %dma_wait3A_156 = arith.constant 0 : i32
        %dma_wait3A_157 = tpu.memref_slice %arg7[%add3A_115, %dma_wait3A_156] : memref<125x80xi32, #tpu.memory_space<vmem>> -> memref<1x80xi32, #tpu.memory_space<vmem>>
        %dma_wait3A_158 = tpu.memref_squeeze %dma_wait3A_157 : memref<1x80xi32, #tpu.memory_space<vmem>> -> memref<80xi32, #tpu.memory_space<vmem>>
        %dma_wait3A_159 = arith.constant 0 : i32
        %dma_wait3A_160 = arith.constant 0 : i32
        %dma_wait3A_161 = tpu.memref_slice %arg9[%dma_wait3A_159, %dma_wait3A_160] : memref<10000x128xf32, #tpu.memory_space<vmem_shared>> -> memref<10000x128xf32, #tpu.memory_space<vmem_shared>>
        tpu.wait_indirect_dma semaphore(%run_scoped3A_141 : memref<!tpu.dma_semaphore, #tpu.memory_space<semaphore_mem>>) src(%dma_wait3A_155 : memref<80x128xf32, #tpu.memory_space<vmem>>) dst(%dma_wait3A_161 : memref<10000x128xf32, #tpu.memory_space<vmem_shared>>)
        tpu.yield
      }) : () -> ()
      %add3A_128 = arith.constant 2 : i32
      %add3A_129 = arith.addi %add3A_115, %add3A_128 : i32
      %mul3A_130 = arith.constant 80 : i32
      %mul3A_131 = arith.muli %add3A_129, %mul3A_130 : i32
      %dma_start3A_132 = arith.constant 1 : i32
      %dma_start3A_133 = arith.constant 0 : i32
      %dma_start3A_134 = arith.constant 0 : i32
      %dma_start3A_135 = tpu.memref_slice %arg8[%dma_start3A_132, %dma_start3A_133, %dma_start3A_134] : memref<2x80x128xf32, #tpu.memory_space<vmem>> -> memref<1x80x128xf32, #tpu.memory_space<vmem>>
      %dma_start3A_136 = tpu.memref_squeeze %dma_start3A_135 : memref<1x80x128xf32, #tpu.memory_space<vmem>> -> memref<80x128xf32, #tpu.memory_space<vmem>>
      %dma_start3A_137 = tpu.memref_slice %arg6[%mul3A_131] : memref<10000xi32, #tpu.memory_space<vmem>> -> memref<80xi32, #tpu.memory_space<vmem>>
      %dma_start3A_138 = arith.constant 0 : i32
      %dma_start3A_139 = arith.constant 0 : i32
      %dma_start3A_140 = tpu.memref_slice %arg2[%dma_start3A_138, %dma_start3A_139] : memref<10000x128xf32, #tpu.memory_space<hbm>> -> memref<10000x128xf32, #tpu.memory_space<hbm>>
      tpu.enqueue_indirect_dma source(%dma_start3A_140 : memref<10000x128xf32, #tpu.memory_space<hbm>>) target(%dma_start3A_136 : memref<80x128xf32, #tpu.memory_space<vmem>>) offsets(%dma_start3A_137 : memref<80xi32, #tpu.memory_space<vmem>>) semaphore(%arg11 : memref<!tpu.dma_semaphore, #tpu.memory_space<semaphore_mem>>)
    }
    %scan3A_27 = arith.constant 61 : i32
    %dma_wait3A = arith.constant 0 : i32
    %dma_wait3A_28 = arith.constant 0 : i32
    %dma_wait3A_29 = arith.constant 0 : i32
    %dma_wait3A_30 = tpu.memref_slice %arg8[%dma_wait3A, %dma_wait3A_28, %dma_wait3A_29] : memref<2x80x128xf32, #tpu.memory_space<vmem>> -> memref<1x80x128xf32, #tpu.memory_space<vmem>>
    %dma_wait3A_31 = tpu.memref_squeeze %dma_wait3A_30 : memref<1x80x128xf32, #tpu.memory_space<vmem>> -> memref<80x128xf32, #tpu.memory_space<vmem>>
    %dma_wait3A_32 = arith.constant 9760 : i32
    %dma_wait3A_33 = tpu.memref_slice %arg6[%dma_wait3A_32] : memref<10000xi32, #tpu.memory_space<vmem>> -> memref<80xi32, #tpu.memory_space<vmem>>
    %dma_wait3A_34 = arith.constant 0 : i32
    %dma_wait3A_35 = arith.constant 0 : i32
    %dma_wait3A_36 = tpu.memref_slice %arg2[%dma_wait3A_34, %dma_wait3A_35] : memref<10000x128xf32, #tpu.memory_space<hbm>> -> memref<10000x128xf32, #tpu.memory_space<hbm>>
    tpu.wait_indirect_dma semaphore(%arg10 : memref<!tpu.dma_semaphore, #tpu.memory_space<semaphore_mem>>) src(%dma_wait3A_36 : memref<10000x128xf32, #tpu.memory_space<hbm>>) dst(%dma_wait3A_31 : memref<80x128xf32, #tpu.memory_space<vmem>>)
    %run_scoped3A = arith.constant 0 : i32
    %run_scoped3A_37 = arith.constant 122 : i32
    "tpu.region"() ({
      %run_scoped3A_78 = tpu.sem_alloc : memref<!tpu.dma_semaphore, #tpu.memory_space<semaphore_mem>>
      %dma_start3A_79 = arith.constant 0 : i32
      %dma_start3A_80 = arith.constant 0 : i32
      %dma_start3A_81 = tpu.memref_slice %arg8[%run_scoped3A, %dma_start3A_79, %dma_start3A_80] : memref<2x80x128xf32, #tpu.memory_space<vmem>> -> memref<1x80x128xf32, #tpu.memory_space<vmem>>
      %dma_start3A_82 = tpu.memref_squeeze %dma_start3A_81 : memref<1x80x128xf32, #tpu.memory_space<vmem>> -> memref<80x128xf32, #tpu.memory_space<vmem>>
      %dma_start3A_83 = arith.constant 0 : i32
      %dma_start3A_84 = tpu.memref_slice %arg7[%run_scoped3A_37, %dma_start3A_83] : memref<125x80xi32, #tpu.memory_space<vmem>> -> memref<1x80xi32, #tpu.memory_space<vmem>>
      %dma_start3A_85 = tpu.memref_squeeze %dma_start3A_84 : memref<1x80xi32, #tpu.memory_space<vmem>> -> memref<80xi32, #tpu.memory_space<vmem>>
      %dma_start3A_86 = arith.constant 0 : i32
      %dma_start3A_87 = arith.constant 0 : i32
      %dma_start3A_88 = tpu.memref_slice %arg9[%dma_start3A_86, %dma_start3A_87] : memref<10000x128xf32, #tpu.memory_space<vmem_shared>> -> memref<10000x128xf32, #tpu.memory_space<vmem_shared>>
      tpu.enqueue_indirect_dma source(%dma_start3A_82 : memref<80x128xf32, #tpu.memory_space<vmem>>) target(%dma_start3A_88 : memref<10000x128xf32, #tpu.memory_space<vmem_shared>>) offsets(%dma_start3A_85 : memref<80xi32, #tpu.memory_space<vmem>>) semaphore(%run_scoped3A_78 : memref<!tpu.dma_semaphore, #tpu.memory_space<semaphore_mem>>) {add = true}
      %dma_wait3A_89 = arith.constant 0 : i32
      %dma_wait3A_90 = arith.constant 0 : i32
      %dma_wait3A_91 = tpu.memref_slice %arg8[%run_scoped3A, %dma_wait3A_89, %dma_wait3A_90] : memref<2x80x128xf32, #tpu.memory_space<vmem>> -> memref<1x80x128xf32, #tpu.memory_space<vmem>>
      %dma_wait3A_92 = tpu.memref_squeeze %dma_wait3A_91 : memref<1x80x128xf32, #tpu.memory_space<vmem>> -> memref<80x128xf32, #tpu.memory_space<vmem>>
      %dma_wait3A_93 = arith.constant 0 : i32
      %dma_wait3A_94 = tpu.memref_slice %arg7[%run_scoped3A_37, %dma_wait3A_93] : memref<125x80xi32, #tpu.memory_space<vmem>> -> memref<1x80xi32, #tpu.memory_space<vmem>>
      %dma_wait3A_95 = tpu.memref_squeeze %dma_wait3A_94 : memref<1x80xi32, #tpu.memory_space<vmem>> -> memref<80xi32, #tpu.memory_space<vmem>>
      %dma_wait3A_96 = arith.constant 0 : i32
      %dma_wait3A_97 = arith.constant 0 : i32
      %dma_wait3A_98 = tpu.memref_slice %arg9[%dma_wait3A_96, %dma_wait3A_97] : memref<10000x128xf32, #tpu.memory_space<vmem_shared>> -> memref<10000x128xf32, #tpu.memory_space<vmem_shared>>
      tpu.wait_indirect_dma semaphore(%run_scoped3A_78 : memref<!tpu.dma_semaphore, #tpu.memory_space<semaphore_mem>>) src(%dma_wait3A_92 : memref<80x128xf32, #tpu.memory_space<vmem>>) dst(%dma_wait3A_98 : memref<10000x128xf32, #tpu.memory_space<vmem_shared>>)
      tpu.yield
    }) : () -> ()
    %dma_start3A_38 = arith.constant 0 : i32
    %dma_start3A_39 = arith.constant 0 : i32
    %dma_start3A_40 = arith.constant 0 : i32
    %dma_start3A_41 = tpu.memref_slice %arg8[%dma_start3A_38, %dma_start3A_39, %dma_start3A_40] : memref<2x80x128xf32, #tpu.memory_space<vmem>> -> memref<1x80x128xf32, #tpu.memory_space<vmem>>
    %dma_start3A_42 = tpu.memref_squeeze %dma_start3A_41 : memref<1x80x128xf32, #tpu.memory_space<vmem>> -> memref<80x128xf32, #tpu.memory_space<vmem>>
    %dma_start3A_43 = arith.constant 9920 : i32
    %dma_start3A_44 = tpu.memref_slice %arg6[%dma_start3A_43] : memref<10000xi32, #tpu.memory_space<vmem>> -> memref<80xi32, #tpu.memory_space<vmem>>
    %dma_start3A_45 = arith.constant 0 : i32
    %dma_start3A_46 = arith.constant 0 : i32
    %dma_start3A_47 = tpu.memref_slice %arg2[%dma_start3A_45, %dma_start3A_46] : memref<10000x128xf32, #tpu.memory_space<hbm>> -> memref<10000x128xf32, #tpu.memory_space<hbm>>
    tpu.enqueue_indirect_dma source(%dma_start3A_47 : memref<10000x128xf32, #tpu.memory_space<hbm>>) target(%dma_start3A_42 : memref<80x128xf32, #tpu.memory_space<vmem>>) offsets(%dma_start3A_44 : memref<80xi32, #tpu.memory_space<vmem>>) semaphore(%arg10 : memref<!tpu.dma_semaphore, #tpu.memory_space<semaphore_mem>>)
    %dma_wait3A_48 = arith.constant 1 : i32
    %dma_wait3A_49 = arith.constant 0 : i32
    %dma_wait3A_50 = arith.constant 0 : i32
    %dma_wait3A_51 = tpu.memref_slice %arg8[%dma_wait3A_48, %dma_wait3A_49, %dma_wait3A_50] : memref<2x80x128xf32, #tpu.memory_space<vmem>> -> memref<1x80x128xf32, #tpu.memory_space<vmem>>
    %dma_wait3A_52 = tpu.memref_squeeze %dma_wait3A_51 : memref<1x80x128xf32, #tpu.memory_space<vmem>> -> memref<80x128xf32, #tpu.memory_space<vmem>>
    %dma_wait3A_53 = arith.constant 9840 : i32
    %dma_wait3A_54 = tpu.memref_slice %arg6[%dma_wait3A_53] : memref<10000xi32, #tpu.memory_space<vmem>> -> memref<80xi32, #tpu.memory_space<vmem>>
    %dma_wait3A_55 = arith.constant 0 : i32
    %dma_wait3A_56 = arith.constant 0 : i32
    %dma_wait3A_57 = tpu.memref_slice %arg2[%dma_wait3A_55, %dma_wait3A_56] : memref<10000x128xf32, #tpu.memory_space<hbm>> -> memref<10000x128xf32, #tpu.memory_space<hbm>>
    tpu.wait_indirect_dma semaphore(%arg11 : memref<!tpu.dma_semaphore, #tpu.memory_space<semaphore_mem>>) src(%dma_wait3A_57 : memref<10000x128xf32, #tpu.memory_space<hbm>>) dst(%dma_wait3A_52 : memref<80x128xf32, #tpu.memory_space<vmem>>)
    %run_scoped3A_58 = arith.constant 1 : i32
    %run_scoped3A_59 = arith.constant 123 : i32
    "tpu.region"() ({
      %run_scoped3A_78 = tpu.sem_alloc : memref<!tpu.dma_semaphore, #tpu.memory_space<semaphore_mem>>
      %dma_start3A_79 = arith.constant 0 : i32
      %dma_start3A_80 = arith.constant 0 : i32
      %dma_start3A_81 = tpu.memref_slice %arg8[%run_scoped3A_58, %dma_start3A_79, %dma_start3A_80] : memref<2x80x128xf32, #tpu.memory_space<vmem>> -> memref<1x80x128xf32, #tpu.memory_space<vmem>>
      %dma_start3A_82 = tpu.memref_squeeze %dma_start3A_81 : memref<1x80x128xf32, #tpu.memory_space<vmem>> -> memref<80x128xf32, #tpu.memory_space<vmem>>
      %dma_start3A_83 = arith.constant 0 : i32
      %dma_start3A_84 = tpu.memref_slice %arg7[%run_scoped3A_59, %dma_start3A_83] : memref<125x80xi32, #tpu.memory_space<vmem>> -> memref<1x80xi32, #tpu.memory_space<vmem>>
      %dma_start3A_85 = tpu.memref_squeeze %dma_start3A_84 : memref<1x80xi32, #tpu.memory_space<vmem>> -> memref<80xi32, #tpu.memory_space<vmem>>
      %dma_start3A_86 = arith.constant 0 : i32
      %dma_start3A_87 = arith.constant 0 : i32
      %dma_start3A_88 = tpu.memref_slice %arg9[%dma_start3A_86, %dma_start3A_87] : memref<10000x128xf32, #tpu.memory_space<vmem_shared>> -> memref<10000x128xf32, #tpu.memory_space<vmem_shared>>
      tpu.enqueue_indirect_dma source(%dma_start3A_82 : memref<80x128xf32, #tpu.memory_space<vmem>>) target(%dma_start3A_88 : memref<10000x128xf32, #tpu.memory_space<vmem_shared>>) offsets(%dma_start3A_85 : memref<80xi32, #tpu.memory_space<vmem>>) semaphore(%run_scoped3A_78 : memref<!tpu.dma_semaphore, #tpu.memory_space<semaphore_mem>>) {add = true}
      %dma_wait3A_89 = arith.constant 0 : i32
      %dma_wait3A_90 = arith.constant 0 : i32
      %dma_wait3A_91 = tpu.memref_slice %arg8[%run_scoped3A_58, %dma_wait3A_89, %dma_wait3A_90] : memref<2x80x128xf32, #tpu.memory_space<vmem>> -> memref<1x80x128xf32, #tpu.memory_space<vmem>>
      %dma_wait3A_92 = tpu.memref_squeeze %dma_wait3A_91 : memref<1x80x128xf32, #tpu.memory_space<vmem>> -> memref<80x128xf32, #tpu.memory_space<vmem>>
      %dma_wait3A_93 = arith.constant 0 : i32
      %dma_wait3A_94 = tpu.memref_slice %arg7[%run_scoped3A_59, %dma_wait3A_93] : memref<125x80xi32, #tpu.memory_space<vmem>> -> memref<1x80xi32, #tpu.memory_space<vmem>>
      %dma_wait3A_95 = tpu.memref_squeeze %dma_wait3A_94 : memref<1x80xi32, #tpu.memory_space<vmem>> -> memref<80xi32, #tpu.memory_space<vmem>>
      %dma_wait3A_96 = arith.constant 0 : i32
      %dma_wait3A_97 = arith.constant 0 : i32
      %dma_wait3A_98 = tpu.memref_slice %arg9[%dma_wait3A_96, %dma_wait3A_97] : memref<10000x128xf32, #tpu.memory_space<vmem_shared>> -> memref<10000x128xf32, #tpu.memory_space<vmem_shared>>
      tpu.wait_indirect_dma semaphore(%run_scoped3A_78 : memref<!tpu.dma_semaphore, #tpu.memory_space<semaphore_mem>>) src(%dma_wait3A_92 : memref<80x128xf32, #tpu.memory_space<vmem>>) dst(%dma_wait3A_98 : memref<10000x128xf32, #tpu.memory_space<vmem_shared>>)
      tpu.yield
    }) : () -> ()
    %dma_wait3A_60 = arith.constant 0 : i32
    %dma_wait3A_61 = arith.constant 0 : i32
    %dma_wait3A_62 = arith.constant 0 : i32
    %dma_wait3A_63 = tpu.memref_slice %arg8[%dma_wait3A_60, %dma_wait3A_61, %dma_wait3A_62] : memref<2x80x128xf32, #tpu.memory_space<vmem>> -> memref<1x80x128xf32, #tpu.memory_space<vmem>>
    %dma_wait3A_64 = tpu.memref_squeeze %dma_wait3A_63 : memref<1x80x128xf32, #tpu.memory_space<vmem>> -> memref<80x128xf32, #tpu.memory_space<vmem>>
    %dma_wait3A_65 = arith.constant 9920 : i32
    %dma_wait3A_66 = tpu.memref_slice %arg6[%dma_wait3A_65] : memref<10000xi32, #tpu.memory_space<vmem>> -> memref<80xi32, #tpu.memory_space<vmem>>
    %dma_wait3A_67 = arith.constant 0 : i32
    %dma_wait3A_68 = arith.constant 0 : i32
    %dma_wait3A_69 = tpu.memref_slice %arg2[%dma_wait3A_67, %dma_wait3A_68] : memref<10000x128xf32, #tpu.memory_space<hbm>> -> memref<10000x128xf32, #tpu.memory_space<hbm>>
    tpu.wait_indirect_dma semaphore(%arg10 : memref<!tpu.dma_semaphore, #tpu.memory_space<semaphore_mem>>) src(%dma_wait3A_69 : memref<10000x128xf32, #tpu.memory_space<hbm>>) dst(%dma_wait3A_64 : memref<80x128xf32, #tpu.memory_space<vmem>>)
    %run_scoped3A_70 = arith.constant 0 : i32
    %run_scoped3A_71 = arith.constant 124 : i32
    "tpu.region"() ({
      %run_scoped3A_78 = tpu.sem_alloc : memref<!tpu.dma_semaphore, #tpu.memory_space<semaphore_mem>>
      %dma_start3A_79 = arith.constant 0 : i32
      %dma_start3A_80 = arith.constant 0 : i32
      %dma_start3A_81 = tpu.memref_slice %arg8[%run_scoped3A_70, %dma_start3A_79, %dma_start3A_80] : memref<2x80x128xf32, #tpu.memory_space<vmem>> -> memref<1x80x128xf32, #tpu.memory_space<vmem>>
      %dma_start3A_82 = tpu.memref_squeeze %dma_start3A_81 : memref<1x80x128xf32, #tpu.memory_space<vmem>> -> memref<80x128xf32, #tpu.memory_space<vmem>>
      %dma_start3A_83 = arith.constant 0 : i32
      %dma_start3A_84 = tpu.memref_slice %arg7[%run_scoped3A_71, %dma_start3A_83] : memref<125x80xi32, #tpu.memory_space<vmem>> -> memref<1x80xi32, #tpu.memory_space<vmem>>
      %dma_start3A_85 = tpu.memref_squeeze %dma_start3A_84 : memref<1x80xi32, #tpu.memory_space<vmem>> -> memref<80xi32, #tpu.memory_space<vmem>>
      %dma_start3A_86 = arith.constant 0 : i32
      %dma_start3A_87 = arith.constant 0 : i32
      %dma_start3A_88 = tpu.memref_slice %arg9[%dma_start3A_86, %dma_start3A_87] : memref<10000x128xf32, #tpu.memory_space<vmem_shared>> -> memref<10000x128xf32, #tpu.memory_space<vmem_shared>>
      tpu.enqueue_indirect_dma source(%dma_start3A_82 : memref<80x128xf32, #tpu.memory_space<vmem>>) target(%dma_start3A_88 : memref<10000x128xf32, #tpu.memory_space<vmem_shared>>) offsets(%dma_start3A_85 : memref<80xi32, #tpu.memory_space<vmem>>) semaphore(%run_scoped3A_78 : memref<!tpu.dma_semaphore, #tpu.memory_space<semaphore_mem>>) {add = true}
      %dma_wait3A_89 = arith.constant 0 : i32
      %dma_wait3A_90 = arith.constant 0 : i32
      %dma_wait3A_91 = tpu.memref_slice %arg8[%run_scoped3A_70, %dma_wait3A_89, %dma_wait3A_90] : memref<2x80x128xf32, #tpu.memory_space<vmem>> -> memref<1x80x128xf32, #tpu.memory_space<vmem>>
      %dma_wait3A_92 = tpu.memref_squeeze %dma_wait3A_91 : memref<1x80x128xf32, #tpu.memory_space<vmem>> -> memref<80x128xf32, #tpu.memory_space<vmem>>
      %dma_wait3A_93 = arith.constant 0 : i32
      %dma_wait3A_94 = tpu.memref_slice %arg7[%run_scoped3A_71, %dma_wait3A_93] : memref<125x80xi32, #tpu.memory_space<vmem>> -> memref<1x80xi32, #tpu.memory_space<vmem>>
      %dma_wait3A_95 = tpu.memref_squeeze %dma_wait3A_94 : memref<1x80xi32, #tpu.memory_space<vmem>> -> memref<80xi32, #tpu.memory_space<vmem>>
      %dma_wait3A_96 = arith.constant 0 : i32
      %dma_wait3A_97 = arith.constant 0 : i32
      %dma_wait3A_98 = tpu.memref_slice %arg9[%dma_wait3A_96, %dma_wait3A_97] : memref<10000x128xf32, #tpu.memory_space<vmem_shared>> -> memref<10000x128xf32, #tpu.memory_space<vmem_shared>>
      tpu.wait_indirect_dma semaphore(%run_scoped3A_78 : memref<!tpu.dma_semaphore, #tpu.memory_space<semaphore_mem>>) src(%dma_wait3A_92 : memref<80x128xf32, #tpu.memory_space<vmem>>) dst(%dma_wait3A_98 : memref<10000x128xf32, #tpu.memory_space<vmem_shared>>)
      tpu.yield
    }) : () -> ()
    %barrier3A_72 = arith.constant 0 : index
    tpu.barrier barrier_id(%barrier3A_72)
    "tpu.region"() ({
      %run_scoped3A_78 = tpu.sem_alloc : memref<!tpu.dma_semaphore, #tpu.memory_space<semaphore_mem>>
      %dma_start3A_79 = arith.constant 0 : i32
      %dma_start3A_80 = tpu.memref_slice %arg5[%arg0, %mul3A_2, %dma_start3A_79] : memref<2x10000x128xf32, #tpu.memory_space<hbm>> -> memref<1x624x128xf32, #tpu.memory_space<hbm>>
      %dma_start3A_81 = tpu.memref_squeeze %dma_start3A_80 : memref<1x624x128xf32, #tpu.memory_space<hbm>> -> memref<624x128xf32, #tpu.memory_space<hbm>>
      %dma_start3A_82 = arith.constant 0 : i32
      %dma_start3A_83 = tpu.memref_slice %arg9[%mul3A_2, %dma_start3A_82] : memref<10000x128xf32, #tpu.memory_space<vmem_shared>> -> memref<624x128xf32, #tpu.memory_space<vmem_shared>>
      tpu.enqueue_dma source(%dma_start3A_83 : memref<624x128xf32, #tpu.memory_space<vmem_shared>>) target(%dma_start3A_81 : memref<624x128xf32, #tpu.memory_space<hbm>>) target_semaphore(%run_scoped3A_78 : memref<!tpu.dma_semaphore, #tpu.memory_space<semaphore_mem>>)
      %dma_wait3A_84 = arith.constant 0 : i32
      %dma_wait3A_85 = tpu.memref_slice %arg5[%arg0, %mul3A_2, %dma_wait3A_84] : memref<2x10000x128xf32, #tpu.memory_space<hbm>> -> memref<1x624x128xf32, #tpu.memory_space<hbm>>
      %dma_wait3A_86 = tpu.memref_squeeze %dma_wait3A_85 : memref<1x624x128xf32, #tpu.memory_space<hbm>> -> memref<624x128xf32, #tpu.memory_space<hbm>>
      %dma_wait3A_87 = arith.constant 0 : i32
      %dma_wait3A_88 = tpu.memref_slice %arg9[%mul3A_2, %dma_wait3A_87] : memref<10000x128xf32, #tpu.memory_space<vmem_shared>> -> memref<624x128xf32, #tpu.memory_space<vmem_shared>>
      tpu.wait_dma2 semaphore(%run_scoped3A_78 : memref<!tpu.dma_semaphore, #tpu.memory_space<semaphore_mem>>) src(%dma_wait3A_88 : memref<624x128xf32, #tpu.memory_space<vmem_shared>>) dst(%dma_wait3A_86 : memref<624x128xf32, #tpu.memory_space<hbm>>)
      tpu.yield
    }) : () -> ()
    %eq3A_73 = arith.constant 15 : i32
    %eq3A_74 = arith.cmpi eq, %arg1, %eq3A_73 : i32
    %convert_element_type3A_75 = arith.extui %eq3A_74 : i1 to i32
    %cond3A_76 = arith.constant 0 : i32
    %cond3A_77 = arith.cmpi ne, %convert_element_type3A_75, %cond3A_76 : i32
    scf.if %cond3A_77 {
      "tpu.region"() ({
        %run_scoped3A_78 = tpu.sem_alloc : memref<!tpu.dma_semaphore, #tpu.memory_space<semaphore_mem>>
        %dma_start3A_79 = arith.constant 9984 : i32
        %dma_start3A_80 = arith.constant 0 : i32
        %dma_start3A_81 = tpu.memref_slice %arg5[%arg0, %dma_start3A_79, %dma_start3A_80] : memref<2x10000x128xf32, #tpu.memory_space<hbm>> -> memref<1x16x128xf32, #tpu.memory_space<hbm>>
        %dma_start3A_82 = tpu.memref_squeeze %dma_start3A_81 : memref<1x16x128xf32, #tpu.memory_space<hbm>> -> memref<16x128xf32, #tpu.memory_space<hbm>>
        %dma_start3A_83 = arith.constant 9984 : i32
        %dma_start3A_84 = arith.constant 0 : i32
        %dma_start3A_85 = tpu.memref_slice %arg9[%dma_start3A_83, %dma_start3A_84] : memref<10000x128xf32, #tpu.memory_space<vmem_shared>> -> memref<16x128xf32, #tpu.memory_space<vmem_shared>>
        tpu.enqueue_dma source(%dma_start3A_85 : memref<16x128xf32, #tpu.memory_space<vmem_shared>>) target(%dma_start3A_82 : memref<16x128xf32, #tpu.memory_space<hbm>>) target_semaphore(%run_scoped3A_78 : memref<!tpu.dma_semaphore, #tpu.memory_space<semaphore_mem>>)
        %dma_wait3A_86 = arith.constant 9984 : i32
        %dma_wait3A_87 = arith.constant 0 : i32
        %dma_wait3A_88 = tpu.memref_slice %arg5[%arg0, %dma_wait3A_86, %dma_wait3A_87] : memref<2x10000x128xf32, #tpu.memory_space<hbm>> -> memref<1x16x128xf32, #tpu.memory_space<hbm>>
        %dma_wait3A_89 = tpu.memref_squeeze %dma_wait3A_88 : memref<1x16x128xf32, #tpu.memory_space<hbm>> -> memref<16x128xf32, #tpu.memory_space<hbm>>
        %dma_wait3A_90 = arith.constant 9984 : i32
        %dma_wait3A_91 = arith.constant 0 : i32
        %dma_wait3A_92 = tpu.memref_slice %arg9[%dma_wait3A_90, %dma_wait3A_91] : memref<10000x128xf32, #tpu.memory_space<vmem_shared>> -> memref<16x128xf32, #tpu.memory_space<vmem_shared>>
        tpu.wait_dma2 semaphore(%run_scoped3A_78 : memref<!tpu.dma_semaphore, #tpu.memory_space<semaphore_mem>>) src(%dma_wait3A_92 : memref<16x128xf32, #tpu.memory_space<vmem_shared>>) dst(%dma_wait3A_89 : memref<16x128xf32, #tpu.memory_space<hbm>>)
        tpu.yield
      }) : () -> ()
    } else {
    }
    return
  }
}

module attributes {stable_mosaic.version = 14 : i64} {
  func.func @_mlp1_body(%arg0: i32, %arg1: memref<2x2000x128xf32, #tpu.memory_space<vmem>>, %arg2: memref<2000x128xf32, #tpu.memory_space<vmem>>, %arg3: memref<128x128xf32, #tpu.memory_space<vmem>>, %arg4: memref<1x128xf32, #tpu.memory_space<vmem>>, %arg5: memref<128x128xf32, #tpu.memory_space<vmem>>, %arg6: memref<1x128xf32, #tpu.memory_space<vmem>>, %arg7: memref<2000x128xf32, #tpu.memory_space<vmem>>) attributes {dimension_semantics = [#tpu.dimension_semantics<arbitrary>], iteration_bounds = array<i64: 5>, scalar_prefetch = 0 : i64, scratch_operands = 0 : i64, tpu.core_type = #tpu.core_type<tc>, window_params = [{transform_indices = @transform_0, window_bounds = array<i64: 2, 2000, 128>}, {transform_indices = @transform_1, window_bounds = array<i64: 2000, 128>}, {pipeline_mode = #tpu.pipeline_mode<synchronous>, transform_indices = @transform_2, window_bounds = array<i64: 128, 128>}, {pipeline_mode = #tpu.pipeline_mode<synchronous>, transform_indices = @transform_3, window_bounds = array<i64: 1, 128>}, {pipeline_mode = #tpu.pipeline_mode<synchronous>, transform_indices = @transform_4, window_bounds = array<i64: 128, 128>}, {pipeline_mode = #tpu.pipeline_mode<synchronous>, transform_indices = @transform_5, window_bounds = array<i64: 1, 128>}, {transform_indices = @transform_6, window_bounds = array<i64: 2000, 128>}]} {
    %get3A = arith.constant 0 : index
    %get3A_0 = arith.constant 0 : index
    %get3A_1 = arith.constant 0 : index
    %get3A_2 = vector.load %arg1[%get3A, %get3A_0, %get3A_1] : memref<2x2000x128xf32, #tpu.memory_space<vmem>>, vector<1x2000x128xf32>
    %get3A_3 = vector.shape_cast %get3A_2 : vector<1x2000x128xf32> to vector<2000x128xf32>
    %get3A_4 = arith.constant 1 : index
    %get3A_5 = arith.constant 0 : index
    %get3A_6 = arith.constant 0 : index
    %get3A_7 = vector.load %arg1[%get3A_4, %get3A_5, %get3A_6] : memref<2x2000x128xf32, #tpu.memory_space<vmem>>, vector<1x2000x128xf32>
    %get3A_8 = vector.shape_cast %get3A_7 : vector<1x2000x128xf32> to vector<2000x128xf32>
    %add3A = arith.addf %get3A_3, %get3A_8 : vector<2000x128xf32>
    %get3A_9 = arith.constant 0 : index
    %get3A_10 = arith.constant 0 : index
    %get3A_11 = vector.load %arg2[%get3A_9, %get3A_10] : memref<2000x128xf32, #tpu.memory_space<vmem>>, vector<2000x128xf32>
    %sub3A = arith.subf %add3A, %get3A_11 : vector<2000x128xf32>
    %get3A_12 = arith.constant 0 : index
    %get3A_13 = arith.constant 0 : index
    %get3A_14 = vector.load %arg3[%get3A_12, %get3A_13] : memref<128x128xf32, #tpu.memory_space<vmem>>, vector<128x128xf32>
    %dot_general3A = arith.constant dense<0.000000e+00> : vector<2000x128xf32>
    %dot_general3A_15 = tpu.matmul %sub3A, %get3A_14, %dot_general3A {dimension_numbers = #tpu.dot_dimension_numbers<[1], [1], [0], [0], [0, 0, 1, 0], [], []>, transpose_lhs_hint = false} : vector<2000x128xf32>, vector<128x128xf32>, vector<2000x128xf32> -> vector<2000x128xf32>
    %get3A_16 = arith.constant 0 : index
    %get3A_17 = arith.constant 0 : index
    %get3A_18 = vector.load %arg4[%get3A_16, %get3A_17] : memref<1x128xf32, #tpu.memory_space<vmem>>, vector<1x128xf32>
    %add3A_19 = vector.broadcast %get3A_18 : vector<1x128xf32> to vector<2000x128xf32>
    %add3A_20 = arith.addf %dot_general3A_15, %add3A_19 : vector<2000x128xf32>
    %max3A = arith.constant 0.000000e+00 : f32
    %max3A_21 = vector.broadcast %max3A : f32 to vector<2000x128xf32>
    %max3A_22 = arith.maximumf %add3A_20, %max3A_21 : vector<2000x128xf32>
    %get3A_23 = arith.constant 0 : index
    %get3A_24 = arith.constant 0 : index
    %get3A_25 = vector.load %arg5[%get3A_23, %get3A_24] : memref<128x128xf32, #tpu.memory_space<vmem>>, vector<128x128xf32>
    %dot_general3A_26 = arith.constant dense<0.000000e+00> : vector<2000x128xf32>
    %dot_general3A_27 = tpu.matmul %max3A_22, %get3A_25, %dot_general3A_26 {dimension_numbers = #tpu.dot_dimension_numbers<[1], [1], [0], [0], [0, 0, 1, 0], [], []>, transpose_lhs_hint = false} : vector<2000x128xf32>, vector<128x128xf32>, vector<2000x128xf32> -> vector<2000x128xf32>
    %get3A_28 = arith.constant 0 : index
    %get3A_29 = arith.constant 0 : index
    %get3A_30 = vector.load %arg6[%get3A_28, %get3A_29] : memref<1x128xf32, #tpu.memory_space<vmem>>, vector<1x128xf32>
    %add3A_31 = vector.broadcast %get3A_30 : vector<1x128xf32> to vector<2000x128xf32>
    %add3A_32 = arith.addf %dot_general3A_27, %add3A_31 : vector<2000x128xf32>
    %max3A_33 = arith.constant 0.000000e+00 : f32
    %max3A_34 = vector.broadcast %max3A_33 : f32 to vector<2000x128xf32>
    %max3A_35 = arith.maximumf %add3A_32, %max3A_34 : vector<2000x128xf32>
    %swap3A = arith.constant 0 : index
    %swap3A_36 = arith.constant 0 : index
    %swap3A_37 = vector.load %arg7[%swap3A, %swap3A_36] : memref<2000x128xf32, #tpu.memory_space<vmem>>, vector<2000x128xf32>
    tpu.vector_store %arg7[%swap3A, %swap3A_36], %max3A_35 {strides = array<i32>} : memref<2000x128xf32, #tpu.memory_space<vmem>>, vector<2000x128xf32>,
    return
  }
  func.func @transform_0(%arg0: i32) -> (i32, i32, i32) {
    %c0_i32 = arith.constant 0 : i32
    %c0_i32_0 = arith.constant 0 : i32
    %c0_i32_1 = arith.constant 0 : i32
    return %c0_i32, %arg0, %c0_i32_0 : i32, i32, i32
  }
  func.func @transform_1(%arg0: i32) -> (i32, i32) {
    %c0_i32 = arith.constant 0 : i32
    %c0_i32_0 = arith.constant 0 : i32
    return %arg0, %c0_i32 : i32, i32
  }
  func.func @transform_2(%arg0: i32) -> (i32, i32) {
    %c0_i32 = arith.constant 0 : i32
    %c0_i32_0 = arith.constant 0 : i32
    %c0_i32_1 = arith.constant 0 : i32
    return %c0_i32, %c0_i32_0 : i32, i32
  }
  func.func @transform_3(%arg0: i32) -> (i32, i32) {
    %c0_i32 = arith.constant 0 : i32
    %c0_i32_0 = arith.constant 0 : i32
    %c0_i32_1 = arith.constant 0 : i32
    return %c0_i32, %c0_i32_0 : i32, i32
  }
  func.func @transform_4(%arg0: i32) -> (i32, i32) {
    %c0_i32 = arith.constant 0 : i32
    %c0_i32_0 = arith.constant 0 : i32
    %c0_i32_1 = arith.constant 0 : i32
    return %c0_i32, %c0_i32_0 : i32, i32
  }
  func.func @transform_5(%arg0: i32) -> (i32, i32) {
    %c0_i32 = arith.constant 0 : i32
    %c0_i32_0 = arith.constant 0 : i32
    %c0_i32_1 = arith.constant 0 : i32
    return %c0_i32, %c0_i32_0 : i32, i32
  }
  func.func @transform_6(%arg0: i32) -> (i32, i32) {
    %c0_i32 = arith.constant 0 : i32
    %c0_i32_0 = arith.constant 0 : i32
    return %arg0, %c0_i32 : i32, i32
  }
}

module attributes {stable_mosaic.version = 14 : i64} {
  func.func @_mlp2_body(%arg0: i32, %arg1: memref<2x2000x128xf32, #tpu.memory_space<vmem>>, %arg2: memref<2000x128xf32, #tpu.memory_space<vmem>>, %arg3: memref<128x128xf32, #tpu.memory_space<vmem>>, %arg4: memref<1x128xf32, #tpu.memory_space<vmem>>, %arg5: memref<2000x128xf32, #tpu.memory_space<vmem>>) attributes {dimension_semantics = [#tpu.dimension_semantics<arbitrary>], iteration_bounds = array<i64: 5>, scalar_prefetch = 0 : i64, scratch_operands = 0 : i64, tpu.core_type = #tpu.core_type<tc>, window_params = [{transform_indices = @transform_0, window_bounds = array<i64: 2, 2000, 128>}, {transform_indices = @transform_1, window_bounds = array<i64: 2000, 128>}, {pipeline_mode = #tpu.pipeline_mode<synchronous>, transform_indices = @transform_2, window_bounds = array<i64: 128, 128>}, {pipeline_mode = #tpu.pipeline_mode<synchronous>, transform_indices = @transform_3, window_bounds = array<i64: 1, 128>}, {transform_indices = @transform_4, window_bounds = array<i64: 2000, 128>}]} {
    %get3A = arith.constant 0 : index
    %get3A_0 = arith.constant 0 : index
    %get3A_1 = arith.constant 0 : index
    %get3A_2 = vector.load %arg1[%get3A, %get3A_0, %get3A_1] : memref<2x2000x128xf32, #tpu.memory_space<vmem>>, vector<1x2000x128xf32>
    %get3A_3 = vector.shape_cast %get3A_2 : vector<1x2000x128xf32> to vector<2000x128xf32>
    %get3A_4 = arith.constant 1 : index
    %get3A_5 = arith.constant 0 : index
    %get3A_6 = arith.constant 0 : index
    %get3A_7 = vector.load %arg1[%get3A_4, %get3A_5, %get3A_6] : memref<2x2000x128xf32, #tpu.memory_space<vmem>>, vector<1x2000x128xf32>
    %get3A_8 = vector.shape_cast %get3A_7 : vector<1x2000x128xf32> to vector<2000x128xf32>
    %add3A = arith.addf %get3A_3, %get3A_8 : vector<2000x128xf32>
    %get3A_9 = arith.constant 0 : index
    %get3A_10 = arith.constant 0 : index
    %get3A_11 = vector.load %arg2[%get3A_9, %get3A_10] : memref<2000x128xf32, #tpu.memory_space<vmem>>, vector<2000x128xf32>
    %sub3A = arith.subf %add3A, %get3A_11 : vector<2000x128xf32>
    %get3A_12 = arith.constant 0 : index
    %get3A_13 = arith.constant 0 : index
    %get3A_14 = vector.load %arg3[%get3A_12, %get3A_13] : memref<128x128xf32, #tpu.memory_space<vmem>>, vector<128x128xf32>
    %dot_general3A = arith.constant dense<0.000000e+00> : vector<2000x128xf32>
    %dot_general3A_15 = tpu.matmul %sub3A, %get3A_14, %dot_general3A {dimension_numbers = #tpu.dot_dimension_numbers<[1], [1], [0], [0], [0, 0, 1, 0], [], []>, transpose_lhs_hint = false} : vector<2000x128xf32>, vector<128x128xf32>, vector<2000x128xf32> -> vector<2000x128xf32>
    %get3A_16 = arith.constant 0 : index
    %get3A_17 = arith.constant 0 : index
    %get3A_18 = vector.load %arg4[%get3A_16, %get3A_17] : memref<1x128xf32, #tpu.memory_space<vmem>>, vector<1x128xf32>
    %add3A_19 = vector.broadcast %get3A_18 : vector<1x128xf32> to vector<2000x128xf32>
    %add3A_20 = arith.addf %dot_general3A_15, %add3A_19 : vector<2000x128xf32>
    %max3A = arith.constant 0.000000e+00 : f32
    %max3A_21 = vector.broadcast %max3A : f32 to vector<2000x128xf32>
    %max3A_22 = arith.maximumf %add3A_20, %max3A_21 : vector<2000x128xf32>
    %reduce_max3A = arith.constant dense<0xFF800000> : vector<2000xf32>
    %reduce_max3A_23 = vector.multi_reduction <maximumf>, %max3A_22, %reduce_max3A [1] : vector<2000x128xf32> to vector<2000xf32>
    %broadcast_in_dim3A = vector.shape_cast %reduce_max3A_23 : vector<2000xf32> to vector<2000x1xf32>
    %sub3A_24 = vector.broadcast %broadcast_in_dim3A : vector<2000x1xf32> to vector<2000x128xf32>
    %sub3A_25 = arith.subf %max3A_22, %sub3A_24 : vector<2000x128xf32>
    %exp3A = math.exp %sub3A_25 : vector<2000x128xf32>
    %reduce_sum3A = arith.constant dense<0.000000e+00> : vector<2000xf32>
    %reduce_sum3A_26 = vector.multi_reduction <add>, %exp3A, %reduce_sum3A [1] : vector<2000x128xf32> to vector<2000xf32>
    %broadcast_in_dim3A_27 = vector.shape_cast %reduce_sum3A_26 : vector<2000xf32> to vector<2000x1xf32>
    %log3A = math.log %broadcast_in_dim3A_27 : vector<2000x1xf32>
    %add3A_28 = arith.addf %broadcast_in_dim3A, %log3A : vector<2000x1xf32>
    %sub3A_29 = vector.broadcast %add3A_28 : vector<2000x1xf32> to vector<2000x128xf32>
    %sub3A_30 = arith.subf %max3A_22, %sub3A_29 : vector<2000x128xf32>
    %swap3A = arith.constant 0 : index
    %swap3A_31 = arith.constant 0 : index
    %swap3A_32 = vector.load %arg5[%swap3A, %swap3A_31] : memref<2000x128xf32, #tpu.memory_space<vmem>>, vector<2000x128xf32>
    tpu.vector_store %arg5[%swap3A, %swap3A_31], %sub3A_30 {strides = array<i32>} : memref<2000x128xf32, #tpu.memory_space<vmem>>, vector<2000x128xf32>,
    return
  }
  func.func @transform_0(%arg0: i32) -> (i32, i32, i32) {
    %c0_i32 = arith.constant 0 : i32
    %c0_i32_0 = arith.constant 0 : i32
    %c0_i32_1 = arith.constant 0 : i32
    return %c0_i32, %arg0, %c0_i32_0 : i32, i32, i32
  }
  func.func @transform_1(%arg0: i32) -> (i32, i32) {
    %c0_i32 = arith.constant 0 : i32
    %c0_i32_0 = arith.constant 0 : i32
    return %arg0, %c0_i32 : i32, i32
  }
  func.func @transform_2(%arg0: i32) -> (i32, i32) {
    %c0_i32 = arith.constant 0 : i32
    %c0_i32_0 = arith.constant 0 : i32
    %c0_i32_1 = arith.constant 0 : i32
    return %c0_i32, %c0_i32_0 : i32, i32
  }
  func.func @transform_3(%arg0: i32) -> (i32, i32) {
    %c0_i32 = arith.constant 0 : i32
    %c0_i32_0 = arith.constant 0 : i32
    %c0_i32_1 = arith.constant 0 : i32
    return %c0_i32, %c0_i32_0 : i32, i32
  }
  func.func @transform_4(%arg0: i32) -> (i32, i32) {
    %c0_i32 = arith.constant 0 : i32
    %c0_i32_0 = arith.constant 0 : i32
    return %arg0, %c0_i32 : i32, i32
  }
}

</mosaic_0001>

<sc_bundles>
// kernel: kernel.6.cloned.1.call-start
scs
__scs_entry_jumppad:
0x0: {  	(pc) =	sbr.rel $0x88, $3  }
0x1: {  	(tag) =	ssettag $0x0;
	lr =	simm.s32 $0x1  }
0x2: {  	[smem:$0x3F99] =	sst lr;
	_ =	strace $0xD0000000  }
0x3: {  	_ = 	snop  }
0x4: {  	_ = 	snop  }
0x5: {  	_ = 	snop  }
0x6: {  	_ = 	snop  }
0x7: {  	_ = 	snop  }
__scs_overlays_trampoline_lowered:
0x8: {  	[smem:$0x3FA8] =	sst s0  }
0x9: {  	[smem:$0x3FA9] =	sst s1  }
0xa: {  	[smem:$0x3FAA] =	sst s2  }
0xb: {  	[smem:$0x3FAB] =	sst s3  }
0xc: {  	[smem:$0x3FAC] =	sst s4  }
0xd: {  	[smem:$0x3FAD] =	sst s5  }
0xe: {  	[smem:$0x3FAE] =	sst s6  }
0xf: {  	[smem:$0x3FAF] =	sst s7  }
0x10: {  	[smem:$0x3FB0] =	sst s8  }
0x11: {  	[smem:$0x3FB1] =	sst s9;
	s0 =	simm.s32 @!p0 $0x0  }
0x12: {  	s1 =	sld [smem:$0x3F97];
	s0 =	simm.s32 @p0 $0x1  }
0x13: {  	[smem:$0x3FB2] =	sst s0;
	s0 =	simm.s32 @!p1 $0x0  }
0x14: {  	s2 =	sld [smem:$0x3F96];
	s0 =	simm.s32 @p1 $0x1  }
0x15: {  	[smem:$0x3FB3] =	sst s0;
	s0 =	simm.s32 @!p2 $0x0  }
0x16: {  	s3 =	sld [smem:$0x3FDB];
	s0 =	simm.s32 @p2 $0x1  }
0x17: {  	s4 =	simm.s32 $0x1BF5;
	[smem:$0x3FB5] =	sst s0  }
0x18: {  	s0 =	sld [smem:$0x3F98];
	_ =	swait.ge [sflag:s4], $0x0  }
0x19: {  	s7 =	sld [smem:$0x3F99]  }
0x1a: {  	s8 =	sadd.s32 $0xFFFFE003, lr  }
0x1b: {  	s9 =	sadd.s32 $0xFFFFFEF7, lr;
	s5 =	simm.s32 $0xFFFFFFFF;
	p2 =	slt.u32 s8, $0xFFFFF086  }
0x1c: {  	p1 =	slt.u32 s9, $0xF7A;
	s5 =	simm.s32 @!p2 $0x0  }
0x1d: {  	s5 =	simm.s32 @p1 $0x1;
	p0 =	seq.s32 s7, s2  }
0x1e: {  	s7 =	smul.u32 @!p0 $0xF7A, s2;
	p2 =	seq.s32 @!p0 s5, $0x0  }
0x1f: {  	s9 =	smul.u32 $0xF7A, s1;
	s8 =	simm.s32 @!p0 $0x1BF5;
	p2 =	por !p2, p0  }
0x20: {  	[sflag:s8] =	ssyncset.s32 @!p0 $0xFFFFF086;
	s6 =	sadd.s32 @!p0 s3, s7;
	s7 =	simm.s32 @!p0 $0x108  }
0x21: {  	s3 =	sadd.s32 s3, s9;
	s6 =	sadd.s32 @!p0 $0x88, s6;
	s7 =	simm.s32 @p2 $0x1082  }
0x22: {  	[simem:s7], [sflag:s8] =	dma.local @!p0 [hbm:s6], $0xF7A  }
0x23: {  	s9 =	sor.u32 $0xD0000000, s2;
	s6 =	simm.s32 $0x108;
	_ =	swait.ge @!p0 [sflag:s8], $0x0  }
0x24: {  	s3 =	sadd.s32 $0x88, s3;
	s6 =	simm.s32 @!p1 $0x1082;
	[sflag:s4] =	ssyncset.s32 $0xFFFFF086  }
0x25: {  	[simem:s6], [sflag:s4] =	dma.local [hbm:s3], $0xF7A  }
0x26: {  	[smem:$0x3F99] =	sst s1;
	(tag) =	ssettag s2;
	_ =	strace s9  }
0x27: {  	s1 =	sld [smem:$0x3FA9]  }
0x28: {  	s2 =	sld [smem:$0x3FAA]  }
0x29: {  	s4 =	sld [smem:$0x3FAC]  }
0x2a: {  	p0 =	seq.s32 s5, $0x0;
	s5 =	sld [smem:$0x3FAD]  }
0x2b: {  	s6 =	sld [smem:$0x3FAE]  }
0x2c: {  	s7 =	sld [smem:$0x3FAF]  }
0x2d: {  	s3 =	simm.s32 $0x108;
	s8 =	sld [smem:$0x3FB0]  }
0x2e: {  	s3 =	simm.s32 @!p0 $0x1082;
	s9 =	sld [smem:$0x3FB1]  }
0x2f: {  	lr =	sadd.s32 s0, s3;
	s0 =	sld [smem:$0x3FA8]  }
0x30: {  	s3 =	sld [smem:$0x3FAB]  }
0x31: {  	[smem:$0x3FB4] =	sst s10  }
0x32: {  	s10 =	sld [smem:$0x3FB2];
	_ =	sdelay $0x3  }
0x33: {  	p0 =	seq.s32 s10, $0x1;
	s10 =	sld [smem:$0x3FB4];
	_ =	sdelay $0x3  }
0x34: {  	[smem:$0x3FB4] =	sst s10  }
0x35: {  	s10 =	sld [smem:$0x3FB3];
	_ =	sdelay $0x3  }
0x36: {  	p1 =	seq.s32 s10, $0x1;
	s10 =	sld [smem:$0x3FB4];
	_ =	sdelay $0x3  }
0x37: {  	[smem:$0x3FB4] =	sst s10  }
0x38: {  	s10 =	sld [smem:$0x3FB5]  }
0x39: {  	_ = 	snop;
	(pc) =	sbr.ind lr, $3  }
0x3a: {  	_ = 	snop  }
0x3b: {  	_ = 	snop  }
0x3c: {  	p2 =	seq.s32 s10, $0x1;
	s10 =	sld [smem:$0x3FB4]  }
0x3d: {  	_ =	shalt  }
0x3e: {  	_ =	shalt  }
0x3f: {  	_ =	shalt  }
0x40: {  	_ =	shalt  }
0x41: {  	_ =	shalt  }
0x42: {  	_ =	shalt  }
0x43: {  	_ =	shalt  }
0x44: {  	_ =	shalt  }
0x45: {  	_ =	shalt  }
0x46: {  	_ =	shalt  }
0x47: {  	_ =	shalt  }
0x48: {  	_ =	shalt  }
0x49: {  	_ =	shalt  }
0x4a: {  	_ =	shalt  }
0x4b: {  	_ =	shalt  }
0x4c: {  	_ =	shalt  }
0x4d: {  	_ =	shalt  }
0x4e: {  	_ =	shalt  }
0x4f: {  	_ =	shalt  }
0x50: {  	_ =	shalt  }
0x51: {  	_ =	shalt  }
0x52: {  	_ =	shalt  }
0x53: {  	_ =	shalt  }
0x54: {  	_ =	shalt  }
0x55: {  	_ =	shalt  }
0x56: {  	_ =	shalt  }
0x57: {  	_ =	shalt  }
0x58: {  	_ =	shalt  }
0x59: {  	_ =	shalt  }
0x5a: {  	_ =	shalt  }
0x5b: {  	_ =	shalt  }
0x5c: {  	_ =	shalt  }
0x5d: {  	_ =	shalt  }
0x5e: {  	_ =	shalt  }
0x5f: {  	_ =	shalt  }
0x60: {  	_ =	shalt  }
0x61: {  	_ =	shalt  }
0x62: {  	_ =	shalt  }
0x63: {  	_ =	shalt  }
0x64: {  	_ =	shalt  }
0x65: {  	_ =	shalt  }
0x66: {  	_ =	shalt  }
0x67: {  	_ =	shalt  }
0x68: {  	_ =	shalt  }
0x69: {  	_ =	shalt  }
0x6a: {  	_ =	shalt  }
0x6b: {  	_ =	shalt  }
0x6c: {  	_ =	shalt  }
0x6d: {  	_ =	shalt  }
0x6e: {  	_ =	shalt  }
0x6f: {  	_ =	shalt  }
0x70: {  	_ =	shalt  }
0x71: {  	_ =	shalt  }
0x72: {  	_ =	shalt  }
0x73: {  	_ =	shalt  }
0x74: {  	_ =	shalt  }
0x75: {  	_ =	shalt  }
0x76: {  	_ =	shalt  }
0x77: {  	_ =	shalt  }
0x78: {  	_ =	shalt  }
0x79: {  	_ =	shalt  }
0x7a: {  	_ =	shalt  }
0x7b: {  	_ =	shalt  }
0x7c: {  	_ =	shalt  }
0x7d: {  	_ =	shalt  }
0x7e: {  	_ =	shalt  }
0x7f: {  	_ =	shalt  }
0x80: {  	_ =	shalt  }
0x81: {  	_ =	shalt  }
0x82: {  	_ =	shalt  }
0x83: {  	_ =	shalt  }
0x84: {  	_ =	shalt  }
0x85: {  	_ =	shalt  }
0x86: {  	_ =	shalt  }
0x87: {  	_ =	shalt  }
.Lfunc_end0:
.L_simem_size_0:
called_computation_lowered:
.L_overlay_start_0:
0x88: {  	s2 =	sld [smem:$0x3FD9]  }
0x89: {  	s3 =	sld [smem:$0x3FFE];
	_ =	sdelay $0x1  }
0x8a: {  	s1 =	srdreg.scid  }
0x8b: {  	s0 =	sand.u32 $0x1, s1  }
0x8c: {  	s17 =	sshll.u32 s0, $0xA;
	s2 =	sadd.s32 s3, s2  }
0x8d: {  	s2 =	sadd.s32 s2, s17  }
0x8e: {  	[smem:$0x3FC0] =	sst s2  }
0x8f: {  	_ = 	snop  }
0x90: {  	s2 =	sld [smem:$0x3FC9];
	(tm) =	ssettm $0x1  }
0x91: {  	s18 =	sld [smem:$0x3FFB];
	_ =	sdelay $0x3  }
0x92: {  	_ =	strace s18  }
0x93: {  	s3 =	sld [smem:$0x3FFC];
	_ =	sdelay $0x3  }
0x94: {  	_ =	strace s3  }
0x95: {  	s3 =	sld [smem:$0x3FFD];
	_ =	sdelay $0x3  }
0x96: {  	_ =	strace s3  }
0x97: {  	_ =	strace $0x8FFFFFFF  }
0x98: {  	s19 =	sld [smem:$0x3FDB];
	_ =	sdelay $0x1  }
0x99: {  	s4 =	simm.s32 $_scs_section_size  }
0x9a: {  	s5 =	simm.s32 $_size__tile_overlayer_lowered;
	s6 =	simm.s32 $_tile_overlayer_lowered  }
0x9b: {  	s22 =	simm.s32 $0x1BFF;
	s21 =	sshll.u32 s6, $0x1;
	s3 =	sadd.s32 s4, s19  }
0x9c: {  	s7 =	simm.s32 $0x0;
	s20 =	sshll.u32 s5, $0x1;
	s5 =	sadd.s32 s21, s3  }
0x9d: {  	[timem:s7], [sflag:s22] =	dma.local [hbm:s5], s20  }
0x9e: {  	_ =	swait.ge [sflag:s22], s20  }
0x9f: {  	s4 =	ssub.s32 $0x0, s20;
	[sflag:s22] =	ssyncset.done $0x0  }
0xa0: {  	[sflag:s22] =	ssyncadd.s32 s4;
	_ =	sdelay $0x1  }
0xa1: {  	s23 =	simm.s32 $0x1B8B  }
0xa2: {  	_ =	swait.ge [sflag:s23], $0x1  }
0xa3: {  	[sflag:s23] =	ssyncset.done $0x0  }
0xa4: {  	s25 =	simm.s32 $0x1B8E;
	s24 =	sld [smem:$0x3FFE];
	[sflag:s23] =	ssyncadd.s32 $0xFFFFFFFF  }
0xa5: {  	s26 =	simm.s32 $execute0_lowered;
	[smem:$0x3FD2] =	sst s25  }
0xa6: {  	s5 =	sshll.u32 s26, $0x1;
	_ =	strace $0x80000046;
	[dreg:$0x1] =	wrdreg $0xFFFFFFFF  }
0xa7: {  	s28 =	simm.s32 $_size_execute0_lowered;
	s3 =	sadd.s32 s3, s5;
	[dreg:$0x0] =	wrdreg $0x0  }
0xa8: {  	s5 =	sshll.u32 s28, $0x1;
	[dreg:$0x2] =	wrdreg s3  }
0xa9: {  	[dreg:$0x3] =	wrdreg s5  }
0xaa: {  	[dreg:$0x4] =	wrdreg $0xC0  }
0xab: {  	_ =	task [dreg:s7], $0x5FFFF  }
0xac: {  	[dreg:$0x1] =	wrdreg $0xFFFFFFFF  }
0xad: {  	[dreg:$0x0] =	wrdreg $0x60  }
0xae: {  	[dreg:$0x2] =	wrdreg s2  }
0xaf: {  	[dreg:$0x3] =	wrdreg s24  }
0xb0: {  	[dreg:$0x4] =	wrdreg $0xB7800  }
0xb1: {  	[dreg:$0x5] =	wrdreg $0x9  }
0xb2: {  	_ =	task.clear_ibuf [dreg:s7], $0x6FFFF;
	_ =	strace $0x90000046  }
0xb3: {  	s29 =	simm.s32 $0x9;
	_ =	strace $0x80000048  }
0xb4: {  	_ =	swait.ge [sflag:s29], $0x1  }
0xb5: {  	[sflag:s29] =	ssyncadd.s32 $0xFFFFFFFF  }
0xb6: {  	_ =	strace $0x90000048  }
0xb7: {  	_ =	sfence  }
0xb8: {  	s30 =	sld [smem:$0x0];
	_ =	sdelay $0x2  }
0xb9: {  	s31 =	sshll.u32 s1, $0xD;
	s1 =	sshrl.u32 s1, $0x2  }
0xba: {  	s3 =	sand.u32 $0x4000, s31;
	s1 =	sadd.s32 s1, s30  }
0xbb: {  	s0 =	sor.u32 s3, s0;
	s1 =	sshll.u32 s1, $0x11  }
0xbc: {  	s0 =	sor.u32 s1, s0  }
0xbd: {  	s0 =	sadd.s32 $0x8F2B, s0  }
0xbe: {  	[sflag:s0] =	ssyncadd.remote.s32 $0x1  }
0xbf: {  	_ =	sfence.sel $0xFFFF  }
0xc0: {  	[dreg:$0x0] =	wrdreg $0xFFFFFFFF;
	(pc) =	sbr.abs _section_cstart, $3  }
0xc1: {  	[dreg:$0x1] =	wrdreg $0xFFFFFFFF  }
0xc2: {  	_ =	task.clear_ibuf [dreg:s7], $0x2FFFF;
	_ =	strace $0x9FFFFFFF  }
0xc3: {  	(tm) =	ssettm $0x7FFFFFFF  }
tec
execute0_lowered:
.L_overlay_start_1:
0x0: {  	(tag) =	ssettag $0x1  }
0x1: {  	s1 =	srdreg.scid  }
0x2: {  	s0 =	stileid.u32;
	s6 =	rddreg [dreg:$0x1]  }
0x3: {  	s13 =	simm.s32 $0x400;
	s14 =	simm.s32 $0x3;
	s15 =	simm.s32 $0x2780  }
0x4: {  	s19 =	simm.s32 $0x50;
	s28 =	simm.s32 $0x6580;
	s29 =	simm.s32 $0x0  }
0x5: {  	s2 =	sand.u32 $0x1, s1;
	s3 =	sshll.u32 s0, $0x1;
	s1 =	rddreg [dreg:$0x0]  }
0x6: {  	s20 =	sshrl.u32 s0, $0x2;
	s9 =	smul.u32 $0x4E000, s0;
	s10 =	sadd.s32 $0x1BA00, s6  }
0x7: {  	s11 =	smul.u32 $0x13800, s0;
	p0 =	sne.s32 s0, $0xF;
	s31 =	sshll.u32 s0, $0x6  }
0x8: {  	s5 =	sor.u32 s2, s3;
	s7 =	smul.u32 $0x13C00, s20;
	s3 =	rddreg [dreg:$0x2]  }
0x9: {  	s22 =	ssub.s32 $0x2, s2;
	s2 =	smul.u32 $0x138800, s2;
	s16 =	sor.u32 $0x1C03, s31  }
0xa: {  	s20 =	simm.s32 $0x6780;
	s4 =	sshll.u32 s5, $0x7;
	s5 =	sshll.u32 s5, $0xB  }
0xb: {  	s23 =	sshrl.u32 s22, $0x1;
	s24 =	sshrl.u32 s9, $0x2;
	s25 =	sshrl.u32 s11, $0x3  }
0xc: {  	s18 =	sadd.s32 $0x138000, s3;
	s8 =	sand.u32 $0x380, s4;
	s4 =	simm.s32 $0x0  }
0xd: {  	s21 =	sadd.s32 s5, s6;
	s12 =	ssub.s32 s22, s23;
	s17 =	sadd.s32 s24, s3  }
0xe: {  	s26 =	sadd.s32 s11, s2;
	s2 =	sshrl.u32 s2, $0x3;
	s18 =	sshrl.u32 @!p0 s18, $0x3  }
0xf: {  	s22 =	simm.s32 $0x1;
	s23 =	simm.s32 $0x2;
	s24 =	simm.s32 $0x6480  }
0x10: {  	s7 =	sor.u32 s7, s8;
	[smem:$0x7FF] =	sst s4;
	s30 =	sshrl.u32 s26, $0x3  }
0x11: {  	s8 =	sadd.s32 $0x27000, s1;
	s2 =	sadd.s32 s10, s2;
	s11 =	smax.u32 s12, $0x1  }
0x12: {  	s17 =	sshrl.u32 s17, $0x3;
	s26 =	simm.s32 $0x6500;
	s7 =	sshrl.u32 s7, $0x3  }
0x13: {  	_ =	strace $0x80000047;
	s9 =	sadd.s32 s10, s30;
	s10 =	sadd.s32 $0x27000, s2  }
0x14: {  	s7 =	sadd.s32 s7, s6;
	s6 =	sadd.s32 $0x1C00, s21;
	s21 =	simm.s32 $0x8F80  }
0x15: {  	s5 =	sadd.s32 $0x11C00, s7;
	s7 =	sadd.s32 s1, s25;
	s25 =	simm.s32 $0x26C0  }
.LBB2_1:
0x16: {  	s0 =	simm.s32 $0x80  }
0x17: {  	[tilespmem:s4], [sflag:$0x3] =	stream.strided.gather [hbm4b:s5+s0], $0x2780, s13, s0, $0x38;
	[tilespmem:$0x1F000] =	vst v63  }
0x18: {  	_ =	swait.ge [sflag:s14], $0x2780  }
0x19: {  	[sflag:s14] =	ssyncset.done $0x0  }
0x1a: {  	[sflag:s14] =	ssyncadd.s32 $0xFFFFD880  }
0x1b: {  	[tilespmem:s15], [sflag:$0x3] =	stream.linear.gather [hbm4b:s6+s4], $0x3E80, $0x38;
	[tilespmem:$0x1F000] =	vst v63  }
0x1c: {  	_ =	swait.ge [sflag:s14], $0x3E80  }
0x1d: {  	[sflag:s14] =	ssyncset.done $0x0  }
0x1e: {  	[sflag:s14] =	ssyncadd.s32 $0xFFFFC180  }
0x1f: {  	[spmem:s17], [sflag:s16] =	dma.local [hbm:s7], $0x2700  }
0x20: {  	_ =	swait.ge [sflag:s14], $0x2700  }
0x21: {  	[sflag:s14] =	ssyncset.done $0x0  }
0x22: {  	s2 =	simm.s32 @!p0 $0x3;
	[sflag:s14] =	ssyncadd.s32 $0xFFFFD900  }
0x23: {  	[spmem:s18], [sflag:s16] =	dma.local @!p0 [hbm:s8], $0x100  }
0x24: {  	_ =	swait.ge @!p0 [sflag:s2], $0x100  }
0x25: {  	[sflag:s2] =	ssyncset.done @!p0 $0x0  }
0x26: {  	[sflag:s2] =	ssyncadd.s32 @!p0 $0xFFFFFF00  }
0x27: {  	[bflag:$0x0] =	sbarrier.arrive $0xFFFF  }
0x28: {  	[tilespmem:s20], [sflag:$0x1] =	stream.indirect.gather [hbm4b:s1+s19], $0x80, s4, s19, $0xb8;
	[tilespmem:$0x1F000] =	vst v63  }
0x29: {  	_ = 	snop  }
0x2a: {  	[tilespmem:s21], [sflag:$0x2] =	stream.indirect.gather [hbm4b:s1+s19], $0x80, s19, s19, $0xb8;
	[tilespmem:$0x1F000] =	vst v63  }
0x2b: {  	_ =	swait.ge [sflag:s22], $0x2800  }
0x2c: {  	[sflag:s22] =	ssyncset.done $0x0  }
0x2d: {  	s12 =	simm.s32 $0x2780;
	[sflag:s22] =	ssyncadd.s32 $0xFFFFD800  }
0x2e: {  	[spmem:s3] =	stream.indirect.scatter.add.f32 [tilespmem:s20], [sflag:$0x3], $0x80, s12, s19, $0xb8;
	[tilespmem:$0x1F000] =	vst v63  }
0x2f: {  	_ =	swait.ge [sflag:s14], $0x2800  }
0x30: {  	[sflag:s14] =	ssyncset.done $0x0  }
0x31: {  	s0 =	simm.s32 $0xA0;
	[sflag:s14] =	ssyncadd.s32 $0xFFFFD800  }
0x32: {  	[tilespmem:s20], [sflag:$0x1] =	stream.indirect.gather [hbm4b:s1+s19], $0x80, s0, s19, $0xb8;
	[tilespmem:$0x1F000] =	vst v63  }
0x33: {  	_ =	swait.ge [sflag:s23], $0x2800  }
0x34: {  	[sflag:s23] =	ssyncset.done $0x0  }
0x35: {  	s12 =	simm.s32 $0x2800;
	[sflag:s23] =	ssyncadd.s32 $0xFFFFD800  }
0x36: {  	[spmem:s3] =	stream.indirect.scatter.add.f32 [tilespmem:s21], [sflag:$0x3], $0x80, s12, s19, $0xb8;
	[tilespmem:$0x1F000] =	vst v63  }
0x37: {  	_ =	swait.ge [sflag:s14], $0x2800  }
0x38: {  	s30 =	simm.s32 $0xF0;
	[sflag:s14] =	ssyncset.done $0x0  }
0x39: {  	s31 =	simm.s32 $0x400;
	s2 =	simm.s32 $0x190;
	[sflag:s14] =	ssyncadd.s32 $0xFFFFD800  }
.LBB2_2:
0x3a: {  	[tilespmem:s21], [sflag:$0x2] =	stream.indirect.gather [hbm4b:s1+s19], $0x80, s30, s19, $0xb8;
	[tilespmem:$0x1F000] =	vst v63  }
0x3b: {  	s0 =	smov.u32 s31;
	s30 =	smov.u32 s2  }
0x3c: {  	p1 =	sne.s32 s31, $0xF000;
	s31 =	sadd.s32 $0x400, s31;
	_ =	swait.ge [sflag:s22], $0x2800  }
0x3d: {  	s0 =	sshra.s32 s0, $0x2;
	[sflag:s22] =	ssyncset.done $0x0  }
0x3e: {  	s12 =	sadd.s32 $0x2780, s0;
	[sflag:s22] =	ssyncadd.s32 $0xFFFFD800  }
0x3f: {  	[spmem:s3] =	stream.indirect.scatter.add.f32 [tilespmem:s20], [sflag:$0x3], $0x80, s12, s19, $0xb8;
	[tilespmem:$0x1F000] =	vst v63  }
0x40: {  	_ =	swait.ge [sflag:s14], $0x2800  }
0x41: {  	[sflag:s14] =	ssyncset.done $0x0  }
0x42: {  	s12 =	sadd.s32 $0xFFFFFFB0, s2;
	[sflag:s14] =	ssyncadd.s32 $0xFFFFD800  }
0x43: {  	[tilespmem:s20], [sflag:$0x1] =	stream.indirect.gather [hbm4b:s1+s19], $0x80, s12, s19, $0xb8;
	[tilespmem:$0x1F000] =	vst v63  }
0x44: {  	_ =	swait.ge [sflag:s23], $0x2800  }
0x45: {  	[sflag:s23] =	ssyncset.done $0x0  }
.Ltmp0:
0x46: {  	s0 =	sadd.s32 $0x2800, s0;
	[sflag:s23] =	ssyncadd.s32 $0xFFFFD800;
	(pc) =	sbr.rel @p1 .LBB2_2-.Ltmp0, $4  }
0x47: {  	[spmem:s3] =	stream.indirect.scatter.add.f32 [tilespmem:s21], [sflag:$0x3], $0x80, s0, s19, $0xb8;
	[tilespmem:$0x1F000] =	vst v63  }
0x48: {  	_ =	swait.ge [sflag:s14], $0x2800  }
0x49: {  	[sflag:s14] =	ssyncset.done $0x0  }
0x4a: {  	s2 =	sadd.s32 $0xA0, s2;
	[sflag:s14] =	ssyncadd.s32 $0xFFFFD800  }
0x4b: {  	[tilespmem:s21], [sflag:$0x2] =	stream.indirect.gather [hbm4b:s1+s19], $0x80, s30, s19, $0xb8;
	[tilespmem:$0x1F000] =	vst v63  }
0x4c: {  	_ =	swait.ge [sflag:s22], $0x2800  }
0x4d: {  	[sflag:s22] =	ssyncset.done $0x0  }
0x4e: {  	[sflag:s22] =	ssyncadd.s32 $0xFFFFD800  }
0x4f: {  	[spmem:s3] =	stream.indirect.scatter.add.f32 [tilespmem:s20], [sflag:$0x3], $0x80, s24, s19, $0xb8;
	[tilespmem:$0x1F000] =	vst v63  }
0x50: {  	_ =	swait.ge [sflag:s14], $0x2800  }
0x51: {  	[sflag:s14] =	ssyncset.done $0x0  }
0x52: {  	[sflag:s14] =	ssyncadd.s32 $0xFFFFD800  }
0x53: {  	[tilespmem:s20], [sflag:$0x1] =	stream.indirect.gather [hbm4b:s1+s19], $0x80, s25, s19, $0xb8;
	[tilespmem:$0x1F000] =	vst v63  }
0x54: {  	_ =	swait.ge [sflag:s23], $0x2800  }
0x55: {  	[sflag:s23] =	ssyncset.done $0x0  }
0x56: {  	[sflag:s23] =	ssyncadd.s32 $0xFFFFD800  }
0x57: {  	[spmem:s3] =	stream.indirect.scatter.add.f32 [tilespmem:s21], [sflag:$0x3], $0x80, s26, s19, $0xb8;
	[tilespmem:$0x1F000] =	vst v63  }
0x58: {  	_ =	swait.ge [sflag:s14], $0x2800  }
0x59: {  	[sflag:s14] =	ssyncset.done $0x0  }
0x5a: {  	[sflag:s14] =	ssyncadd.s32 $0xFFFFD800  }
0x5b: {  	_ =	swait.ge [sflag:s22], $0x2800  }
0x5c: {  	[sflag:s22] =	ssyncset.done $0x0  }
0x5d: {  	[sflag:s22] =	ssyncadd.s32 $0xFFFFD800  }
0x5e: {  	[spmem:s3] =	stream.indirect.scatter.add.f32 [tilespmem:s20], [sflag:$0x3], $0x80, s28, s19, $0xb8;
	[tilespmem:$0x1F000] =	vst v63  }
0x5f: {  	_ =	swait.ge [sflag:s14], $0x2800  }
0x60: {  	[sflag:s14] =	ssyncset.done $0x0  }
0x61: {  	[sflag:s14] =	ssyncadd.s32 $0xFFFFD800  }
0x62: {  	[bflag:$0x0] =	sbarrier.arrive $0xFFFF  }
0x63: {  	[hbm:s9], [sflag:s16] =	dma.local [spmem:s17], $0x2700  }
0x64: {  	s29 =	sadd.s32 $0x1, s29;
	_ =	swait.ge [sflag:s14], $0x2700  }
0x65: {  	p1 =	sne.s32 s29, s11;
	[sflag:s14] =	ssyncset.done $0x0  }
.Ltmp1:
0x66: {  	s0 =	simm.s32 @!p0 $0x3;
	[sflag:s14] =	ssyncadd.s32 $0xFFFFD900;
	(pc) =	sbr.rel @p1 .LBB2_1-.Ltmp1, $4  }
0x67: {  	[hbm:s10], [sflag:s16] =	dma.local @!p0 [spmem:s18], $0x100  }
0x68: {  	_ =	swait.ge @!p0 [sflag:s0], $0x100  }
0x69: {  	[sflag:s0] =	ssyncset.done @!p0 $0x0  }
0x6a: {  	[sflag:s0] =	ssyncadd.s32 @!p0 $0xFFFFFF00  }
0x6b: {  	_ =	sfence.sel $0x180000  }
0x6c: {  	[bflag:$0x0] =	sbarrier.arrive $0xFFFF  }
0x6d: {  	_ =	strace $0x90000047  }
0x6e: {  	s0 =	stileid.u32;
	[bflag:$0x2] =	sbarrier.arrive $0xFFFF  }
0x6f: {  	p0 =	sne.s32 s0, $0x0;
	s0 =	rddreg [dreg:$0x3]  }
0x70: {  	s0 =	sadd.s32 @!p0 $0x100000, s0  }
0x71: {  	[sflag:s0] =	ssyncadd.tile.s32 @!p0 $0x1;
	_ =	shalt  }
.Lfunc_end2:
_tile_overlayer_lowered:
.L_overlay_start_2:
0x72: {  	(tag) =	ssettag $0x2  }
0x73: {  	s0 =	rddreg [dreg:$0x0];
	s2 =	stileid.u32  }
0x74: {  	s1 =	rddreg [dreg:$0x1];
	p0 =	sne.s32 s2, $0x0  }
0x75: {  	s3 =	rddreg [dreg:$0x2];
	[bflag:$0x3] =	sbarrier.arrive $0xFFFF;
	s2 =	simm.s32 @!p0 $0x1C03  }
0x76: {  	[timem:s3], [sflag:s2] =	dma.local @!p0 [hbm:s0], s1  }
0x77: {  	s0 =	simm.s32 @!p0 $0x3  }
0x78: {  	_ =	swait.ge @!p0 [sflag:s0], s1  }
0x79: {  	s1 =	ssub.s32 @!p0 $0x0, s1;
	[sflag:s0] =	ssyncset.done @!p0 $0x0  }
0x7a: {  	[sflag:s0] =	ssyncadd.s32 @!p0 s1  }
0x7b: {  	[bflag:$0x3] =	sbarrier.arrive $0xFFFF  }
0x7c: {  	_ =	shalt  }

// kernel: kernel.9.cloned.1.call-start
scs
__scs_entry_jumppad:
0x0: {  	(pc) =	sbr.rel $0x88, $3  }
0x1: {  	(tag) =	ssettag $0x0;
	lr =	simm.s32 $0x1  }
0x2: {  	[smem:$0x3F99] =	sst lr;
	_ =	strace $0xD0000000  }
0x3: {  	_ = 	snop  }
0x4: {  	_ = 	snop  }
0x5: {  	_ = 	snop  }
0x6: {  	_ = 	snop  }
0x7: {  	_ = 	snop  }
__scs_overlays_trampoline_lowered:
0x8: {  	[smem:$0x3FA8] =	sst s0  }
0x9: {  	[smem:$0x3FA9] =	sst s1  }
0xa: {  	[smem:$0x3FAA] =	sst s2  }
0xb: {  	[smem:$0x3FAB] =	sst s3  }
0xc: {  	[smem:$0x3FAC] =	sst s4  }
0xd: {  	[smem:$0x3FAD] =	sst s5  }
0xe: {  	[smem:$0x3FAE] =	sst s6  }
0xf: {  	[smem:$0x3FAF] =	sst s7  }
0x10: {  	[smem:$0x3FB0] =	sst s8  }
0x11: {  	[smem:$0x3FB1] =	sst s9;
	s0 =	simm.s32 @!p0 $0x0  }
0x12: {  	s1 =	sld [smem:$0x3F97];
	s0 =	simm.s32 @p0 $0x1  }
0x13: {  	[smem:$0x3FB2] =	sst s0;
	s0 =	simm.s32 @!p1 $0x0  }
0x14: {  	s2 =	sld [smem:$0x3F96];
	s0 =	simm.s32 @p1 $0x1  }
0x15: {  	[smem:$0x3FB3] =	sst s0;
	s0 =	simm.s32 @!p2 $0x0  }
0x16: {  	s3 =	sld [smem:$0x3FDB];
	s0 =	simm.s32 @p2 $0x1  }
0x17: {  	s4 =	simm.s32 $0x1BF5;
	[smem:$0x3FB5] =	sst s0  }
0x18: {  	s0 =	sld [smem:$0x3F98];
	_ =	swait.ge [sflag:s4], $0x0  }
0x19: {  	s7 =	sld [smem:$0x3F99]  }
0x1a: {  	s8 =	sadd.s32 $0xFFFFE003, lr  }
0x1b: {  	s9 =	sadd.s32 $0xFFFFFEF7, lr;
	s5 =	simm.s32 $0xFFFFFFFF;
	p2 =	slt.u32 s8, $0xFFFFF086  }
0x1c: {  	p1 =	slt.u32 s9, $0xF7A;
	s5 =	simm.s32 @!p2 $0x0  }
0x1d: {  	s5 =	simm.s32 @p1 $0x1;
	p0 =	seq.s32 s7, s2  }
0x1e: {  	s7 =	smul.u32 @!p0 $0xF7A, s2;
	p2 =	seq.s32 @!p0 s5, $0x0  }
0x1f: {  	s9 =	smul.u32 $0xF7A, s1;
	s8 =	simm.s32 @!p0 $0x1BF5;
	p2 =	por !p2, p0  }
0x20: {  	[sflag:s8] =	ssyncset.s32 @!p0 $0xFFFFF086;
	s6 =	sadd.s32 @!p0 s3, s7;
	s7 =	simm.s32 @!p0 $0x108  }
0x21: {  	s3 =	sadd.s32 s3, s9;
	s6 =	sadd.s32 @!p0 $0x88, s6;
	s7 =	simm.s32 @p2 $0x1082  }
0x22: {  	[simem:s7], [sflag:s8] =	dma.local @!p0 [hbm:s6], $0xF7A  }
0x23: {  	s9 =	sor.u32 $0xD0000000, s2;
	s6 =	simm.s32 $0x108;
	_ =	swait.ge @!p0 [sflag:s8], $0x0  }
0x24: {  	s3 =	sadd.s32 $0x88, s3;
	s6 =	simm.s32 @!p1 $0x1082;
	[sflag:s4] =	ssyncset.s32 $0xFFFFF086  }
0x25: {  	[simem:s6], [sflag:s4] =	dma.local [hbm:s3], $0xF7A  }
0x26: {  	[smem:$0x3F99] =	sst s1;
	(tag) =	ssettag s2;
	_ =	strace s9  }
0x27: {  	s1 =	sld [smem:$0x3FA9]  }
0x28: {  	s2 =	sld [smem:$0x3FAA]  }
0x29: {  	s4 =	sld [smem:$0x3FAC]  }
0x2a: {  	p0 =	seq.s32 s5, $0x0;
	s5 =	sld [smem:$0x3FAD]  }
0x2b: {  	s6 =	sld [smem:$0x3FAE]  }
0x2c: {  	s7 =	sld [smem:$0x3FAF]  }
0x2d: {  	s3 =	simm.s32 $0x108;
	s8 =	sld [smem:$0x3FB0]  }
0x2e: {  	s3 =	simm.s32 @!p0 $0x1082;
	s9 =	sld [smem:$0x3FB1]  }
0x2f: {  	lr =	sadd.s32 s0, s3;
	s0 =	sld [smem:$0x3FA8]  }
0x30: {  	s3 =	sld [smem:$0x3FAB]  }
0x31: {  	[smem:$0x3FB4] =	sst s10  }
0x32: {  	s10 =	sld [smem:$0x3FB2];
	_ =	sdelay $0x3  }
0x33: {  	p0 =	seq.s32 s10, $0x1;
	s10 =	sld [smem:$0x3FB4];
	_ =	sdelay $0x3  }
0x34: {  	[smem:$0x3FB4] =	sst s10  }
0x35: {  	s10 =	sld [smem:$0x3FB3];
	_ =	sdelay $0x3  }
0x36: {  	p1 =	seq.s32 s10, $0x1;
	s10 =	sld [smem:$0x3FB4];
	_ =	sdelay $0x3  }
0x37: {  	[smem:$0x3FB4] =	sst s10  }
0x38: {  	s10 =	sld [smem:$0x3FB5]  }
0x39: {  	_ = 	snop;
	(pc) =	sbr.ind lr, $3  }
0x3a: {  	_ = 	snop  }
0x3b: {  	_ = 	snop  }
0x3c: {  	p2 =	seq.s32 s10, $0x1;
	s10 =	sld [smem:$0x3FB4]  }
0x3d: {  	_ =	shalt  }
0x3e: {  	_ =	shalt  }
0x3f: {  	_ =	shalt  }
0x40: {  	_ =	shalt  }
0x41: {  	_ =	shalt  }
0x42: {  	_ =	shalt  }
0x43: {  	_ =	shalt  }
0x44: {  	_ =	shalt  }
0x45: {  	_ =	shalt  }
0x46: {  	_ =	shalt  }
0x47: {  	_ =	shalt  }
0x48: {  	_ =	shalt  }
0x49: {  	_ =	shalt  }
0x4a: {  	_ =	shalt  }
0x4b: {  	_ =	shalt  }
0x4c: {  	_ =	shalt  }
0x4d: {  	_ =	shalt  }
0x4e: {  	_ =	shalt  }
0x4f: {  	_ =	shalt  }
0x50: {  	_ =	shalt  }
0x51: {  	_ =	shalt  }
0x52: {  	_ =	shalt  }
0x53: {  	_ =	shalt  }
0x54: {  	_ =	shalt  }
0x55: {  	_ =	shalt  }
0x56: {  	_ =	shalt  }
0x57: {  	_ =	shalt  }
0x58: {  	_ =	shalt  }
0x59: {  	_ =	shalt  }
0x5a: {  	_ =	shalt  }
0x5b: {  	_ =	shalt  }
0x5c: {  	_ =	shalt  }
0x5d: {  	_ =	shalt  }
0x5e: {  	_ =	shalt  }
0x5f: {  	_ =	shalt  }
0x60: {  	_ =	shalt  }
0x61: {  	_ =	shalt  }
0x62: {  	_ =	shalt  }
0x63: {  	_ =	shalt  }
0x64: {  	_ =	shalt  }
0x65: {  	_ =	shalt  }
0x66: {  	_ =	shalt  }
0x67: {  	_ =	shalt  }
0x68: {  	_ =	shalt  }
0x69: {  	_ =	shalt  }
0x6a: {  	_ =	shalt  }
0x6b: {  	_ =	shalt  }
0x6c: {  	_ =	shalt  }
0x6d: {  	_ =	shalt  }
0x6e: {  	_ =	shalt  }
0x6f: {  	_ =	shalt  }
0x70: {  	_ =	shalt  }
0x71: {  	_ =	shalt  }
0x72: {  	_ =	shalt  }
0x73: {  	_ =	shalt  }
0x74: {  	_ =	shalt  }
0x75: {  	_ =	shalt  }
0x76: {  	_ =	shalt  }
0x77: {  	_ =	shalt  }
0x78: {  	_ =	shalt  }
0x79: {  	_ =	shalt  }
0x7a: {  	_ =	shalt  }
0x7b: {  	_ =	shalt  }
0x7c: {  	_ =	shalt  }
0x7d: {  	_ =	shalt  }
0x7e: {  	_ =	shalt  }
0x7f: {  	_ =	shalt  }
0x80: {  	_ =	shalt  }
0x81: {  	_ =	shalt  }
0x82: {  	_ =	shalt  }
0x83: {  	_ =	shalt  }
0x84: {  	_ =	shalt  }
0x85: {  	_ =	shalt  }
0x86: {  	_ =	shalt  }
0x87: {  	_ =	shalt  }
.Lfunc_end0:
.L_simem_size_0:
called_computation.1_lowered:
.L_overlay_start_0:
0x88: {  	s2 =	sld [smem:$0x3FD9]  }
0x89: {  	s3 =	sld [smem:$0x3FFE];
	_ =	sdelay $0x1  }
0x8a: {  	s1 =	srdreg.scid  }
0x8b: {  	s0 =	sand.u32 $0x1, s1  }
0x8c: {  	s17 =	sshll.u32 s0, $0xA;
	s2 =	sadd.s32 s3, s2  }
0x8d: {  	s2 =	sadd.s32 s2, s17  }
0x8e: {  	[smem:$0x3FC0] =	sst s2  }
0x8f: {  	_ = 	snop  }
0x90: {  	s2 =	sld [smem:$0x3FD0];
	(tm) =	ssettm $0x1  }
0x91: {  	s18 =	sld [smem:$0x3FFB];
	_ =	sdelay $0x3  }
0x92: {  	_ =	strace s18  }
0x93: {  	s3 =	sld [smem:$0x3FFC];
	_ =	sdelay $0x3  }
0x94: {  	_ =	strace s3  }
0x95: {  	s3 =	sld [smem:$0x3FFD];
	_ =	sdelay $0x3  }
0x96: {  	_ =	strace s3  }
0x97: {  	_ =	strace $0x8FFFFFFF  }
0x98: {  	s19 =	sld [smem:$0x3FDB];
	_ =	sdelay $0x1  }
0x99: {  	s4 =	simm.s32 $_scs_section_size  }
0x9a: {  	s5 =	simm.s32 $_size__tile_overlayer_lowered;
	s6 =	simm.s32 $_tile_overlayer_lowered  }
0x9b: {  	s22 =	simm.s32 $0x1BFF;
	s21 =	sshll.u32 s6, $0x1;
	s3 =	sadd.s32 s4, s19  }
0x9c: {  	s7 =	simm.s32 $0x0;
	s20 =	sshll.u32 s5, $0x1;
	s5 =	sadd.s32 s21, s3  }
0x9d: {  	[timem:s7], [sflag:s22] =	dma.local [hbm:s5], s20  }
0x9e: {  	_ =	swait.ge [sflag:s22], s20  }
0x9f: {  	s4 =	ssub.s32 $0x0, s20;
	[sflag:s22] =	ssyncset.done $0x0  }
0xa0: {  	[sflag:s22] =	ssyncadd.s32 s4;
	_ =	sdelay $0x1  }
0xa1: {  	s23 =	simm.s32 $0x1B8B  }
0xa2: {  	_ =	swait.ge [sflag:s23], $0x1  }
0xa3: {  	[sflag:s23] =	ssyncset.done $0x0  }
0xa4: {  	s25 =	simm.s32 $0x1B8E;
	s24 =	sld [smem:$0x3FFE];
	[sflag:s23] =	ssyncadd.s32 $0xFFFFFFFF  }
0xa5: {  	s26 =	simm.s32 $execute0_lowered;
	[smem:$0x3FD2] =	sst s25  }
0xa6: {  	s5 =	sshll.u32 s26, $0x1;
	_ =	strace $0x80000049;
	[dreg:$0x1] =	wrdreg $0xFFFFFFFF  }
0xa7: {  	s28 =	simm.s32 $_size_execute0_lowered;
	s3 =	sadd.s32 s3, s5;
	[dreg:$0x0] =	wrdreg $0x0  }
0xa8: {  	s5 =	sshll.u32 s28, $0x1;
	[dreg:$0x2] =	wrdreg s3  }
0xa9: {  	[dreg:$0x3] =	wrdreg s5  }
0xaa: {  	[dreg:$0x4] =	wrdreg $0xC0  }
0xab: {  	_ =	task [dreg:s7], $0x5FFFF  }
0xac: {  	[dreg:$0x1] =	wrdreg $0xFFFFFFFF  }
0xad: {  	[dreg:$0x0] =	wrdreg $0x60  }
0xae: {  	[dreg:$0x2] =	wrdreg s2  }
0xaf: {  	[dreg:$0x3] =	wrdreg s24  }
0xb0: {  	[dreg:$0x4] =	wrdreg $0xB7800  }
0xb1: {  	[dreg:$0x5] =	wrdreg $0x9  }
0xb2: {  	_ =	task.clear_ibuf [dreg:s7], $0x6FFFF;
	_ =	strace $0x90000049  }
0xb3: {  	s29 =	simm.s32 $0x9;
	_ =	strace $0x8000004B  }
0xb4: {  	_ =	swait.ge [sflag:s29], $0x1  }
0xb5: {  	[sflag:s29] =	ssyncadd.s32 $0xFFFFFFFF  }
0xb6: {  	_ =	strace $0x9000004B  }
0xb7: {  	_ =	sfence  }
0xb8: {  	s30 =	sld [smem:$0x0];
	_ =	sdelay $0x2  }
0xb9: {  	s31 =	sshll.u32 s1, $0xD;
	s1 =	sshrl.u32 s1, $0x2  }
0xba: {  	s3 =	sand.u32 $0x4000, s31;
	s1 =	sadd.s32 s1, s30  }
0xbb: {  	s0 =	sor.u32 s3, s0;
	s1 =	sshll.u32 s1, $0x11  }
0xbc: {  	s0 =	sor.u32 s1, s0  }
0xbd: {  	s0 =	sadd.s32 $0x8F2B, s0  }
0xbe: {  	[sflag:s0] =	ssyncadd.remote.s32 $0x1  }
0xbf: {  	_ =	sfence.sel $0xFFFF  }
0xc0: {  	[dreg:$0x0] =	wrdreg $0xFFFFFFFF;
	(pc) =	sbr.abs _section_cstart, $3  }
0xc1: {  	[dreg:$0x1] =	wrdreg $0xFFFFFFFF  }
0xc2: {  	_ =	task.clear_ibuf [dreg:s7], $0x2FFFF;
	_ =	strace $0x9FFFFFFF  }
0xc3: {  	(tm) =	ssettm $0x7FFFFFFF  }
tec
execute0_lowered:
.L_overlay_start_1:
0x0: {  	(tag) =	ssettag $0x1  }
0x1: {  	s1 =	srdreg.scid  }
0x2: {  	s0 =	stileid.u32;
	s6 =	rddreg [dreg:$0x1]  }
0x3: {  	s13 =	simm.s32 $0x400;
	s14 =	simm.s32 $0x3;
	s15 =	simm.s32 $0x2780  }
0x4: {  	s19 =	simm.s32 $0x50;
	s28 =	simm.s32 $0x6580;
	s29 =	simm.s32 $0x0  }
0x5: {  	s2 =	sand.u32 $0x1, s1;
	s3 =	sshll.u32 s0, $0x1;
	s1 =	rddreg [dreg:$0x0]  }
0x6: {  	s20 =	sshrl.u32 s0, $0x2;
	s9 =	smul.u32 $0x4E000, s0;
	s10 =	sadd.s32 $0x1BA00, s6  }
0x7: {  	s11 =	smul.u32 $0x13800, s0;
	p0 =	sne.s32 s0, $0xF;
	s31 =	sshll.u32 s0, $0x6  }
0x8: {  	s5 =	sor.u32 s2, s3;
	s7 =	smul.u32 $0x13C00, s20;
	s3 =	rddreg [dreg:$0x2]  }
0x9: {  	s22 =	ssub.s32 $0x2, s2;
	s2 =	smul.u32 $0x138800, s2;
	s16 =	sor.u32 $0x1C03, s31  }
0xa: {  	s20 =	simm.s32 $0x6780;
	s4 =	sshll.u32 s5, $0x7;
	s5 =	sshll.u32 s5, $0xB  }
0xb: {  	s23 =	sshrl.u32 s22, $0x1;
	s24 =	sshrl.u32 s9, $0x2;
	s25 =	sshrl.u32 s11, $0x3  }
0xc: {  	s18 =	sadd.s32 $0x138000, s3;
	s8 =	sand.u32 $0x380, s4;
	s4 =	simm.s32 $0x0  }
0xd: {  	s21 =	sadd.s32 s5, s6;
	s12 =	ssub.s32 s22, s23;
	s17 =	sadd.s32 s24, s3  }
0xe: {  	s26 =	sadd.s32 s11, s2;
	s2 =	sshrl.u32 s2, $0x3;
	s18 =	sshrl.u32 @!p0 s18, $0x3  }
0xf: {  	s22 =	simm.s32 $0x1;
	s23 =	simm.s32 $0x2;
	s24 =	simm.s32 $0x6480  }
0x10: {  	s7 =	sor.u32 s7, s8;
	[smem:$0x7FF] =	sst s4;
	s30 =	sshrl.u32 s26, $0x3  }
0x11: {  	s8 =	sadd.s32 $0x27000, s1;
	s2 =	sadd.s32 s10, s2;
	s11 =	smax.u32 s12, $0x1  }
0x12: {  	s17 =	sshrl.u32 s17, $0x3;
	s26 =	simm.s32 $0x6500;
	s7 =	sshrl.u32 s7, $0x3  }
0x13: {  	_ =	strace $0x8000004A;
	s9 =	sadd.s32 s10, s30;
	s10 =	sadd.s32 $0x27000, s2  }
0x14: {  	s7 =	sadd.s32 s7, s6;
	s6 =	sadd.s32 $0x1C00, s21;
	s21 =	simm.s32 $0x8F80  }
0x15: {  	s5 =	sadd.s32 $0x11C00, s7;
	s7 =	sadd.s32 s1, s25;
	s25 =	simm.s32 $0x26C0  }
.LBB2_1:
0x16: {  	s0 =	simm.s32 $0x80  }
0x17: {  	[tilespmem:s4], [sflag:$0x3] =	stream.strided.gather [hbm4b:s5+s0], $0x2780, s13, s0, $0x38;
	[tilespmem:$0x1F000] =	vst v63  }
0x18: {  	_ =	swait.ge [sflag:s14], $0x2780  }
0x19: {  	[sflag:s14] =	ssyncset.done $0x0  }
0x1a: {  	[sflag:s14] =	ssyncadd.s32 $0xFFFFD880  }
0x1b: {  	[tilespmem:s15], [sflag:$0x3] =	stream.linear.gather [hbm4b:s6+s4], $0x3E80, $0x38;
	[tilespmem:$0x1F000] =	vst v63  }
0x1c: {  	_ =	swait.ge [sflag:s14], $0x3E80  }
0x1d: {  	[sflag:s14] =	ssyncset.done $0x0  }
0x1e: {  	[sflag:s14] =	ssyncadd.s32 $0xFFFFC180  }
0x1f: {  	[spmem:s17], [sflag:s16] =	dma.local [hbm:s7], $0x2700  }
0x20: {  	_ =	swait.ge [sflag:s14], $0x2700  }
0x21: {  	[sflag:s14] =	ssyncset.done $0x0  }
0x22: {  	s2 =	simm.s32 @!p0 $0x3;
	[sflag:s14] =	ssyncadd.s32 $0xFFFFD900  }
0x23: {  	[spmem:s18], [sflag:s16] =	dma.local @!p0 [hbm:s8], $0x100  }
0x24: {  	_ =	swait.ge @!p0 [sflag:s2], $0x100  }
0x25: {  	[sflag:s2] =	ssyncset.done @!p0 $0x0  }
0x26: {  	[sflag:s2] =	ssyncadd.s32 @!p0 $0xFFFFFF00  }
0x27: {  	[bflag:$0x0] =	sbarrier.arrive $0xFFFF  }
0x28: {  	[tilespmem:s20], [sflag:$0x1] =	stream.indirect.gather [hbm4b:s1+s19], $0x80, s4, s19, $0xb8;
	[tilespmem:$0x1F000] =	vst v63  }
0x29: {  	_ = 	snop  }
0x2a: {  	[tilespmem:s21], [sflag:$0x2] =	stream.indirect.gather [hbm4b:s1+s19], $0x80, s19, s19, $0xb8;
	[tilespmem:$0x1F000] =	vst v63  }
0x2b: {  	_ =	swait.ge [sflag:s22], $0x2800  }
0x2c: {  	[sflag:s22] =	ssyncset.done $0x0  }
0x2d: {  	s12 =	simm.s32 $0x2780;
	[sflag:s22] =	ssyncadd.s32 $0xFFFFD800  }
0x2e: {  	[spmem:s3] =	stream.indirect.scatter.add.f32 [tilespmem:s20], [sflag:$0x3], $0x80, s12, s19, $0xb8;
	[tilespmem:$0x1F000] =	vst v63  }
0x2f: {  	_ =	swait.ge [sflag:s14], $0x2800  }
0x30: {  	[sflag:s14] =	ssyncset.done $0x0  }
0x31: {  	s0 =	simm.s32 $0xA0;
	[sflag:s14] =	ssyncadd.s32 $0xFFFFD800  }
0x32: {  	[tilespmem:s20], [sflag:$0x1] =	stream.indirect.gather [hbm4b:s1+s19], $0x80, s0, s19, $0xb8;
	[tilespmem:$0x1F000] =	vst v63  }
0x33: {  	_ =	swait.ge [sflag:s23], $0x2800  }
0x34: {  	[sflag:s23] =	ssyncset.done $0x0  }
0x35: {  	s12 =	simm.s32 $0x2800;
	[sflag:s23] =	ssyncadd.s32 $0xFFFFD800  }
0x36: {  	[spmem:s3] =	stream.indirect.scatter.add.f32 [tilespmem:s21], [sflag:$0x3], $0x80, s12, s19, $0xb8;
	[tilespmem:$0x1F000] =	vst v63  }
0x37: {  	_ =	swait.ge [sflag:s14], $0x2800  }
0x38: {  	s30 =	simm.s32 $0xF0;
	[sflag:s14] =	ssyncset.done $0x0  }
0x39: {  	s31 =	simm.s32 $0x400;
	s2 =	simm.s32 $0x190;
	[sflag:s14] =	ssyncadd.s32 $0xFFFFD800  }
.LBB2_2:
0x3a: {  	[tilespmem:s21], [sflag:$0x2] =	stream.indirect.gather [hbm4b:s1+s19], $0x80, s30, s19, $0xb8;
	[tilespmem:$0x1F000] =	vst v63  }
0x3b: {  	s0 =	smov.u32 s31;
	s30 =	smov.u32 s2  }
0x3c: {  	p1 =	sne.s32 s31, $0xF000;
	s31 =	sadd.s32 $0x400, s31;
	_ =	swait.ge [sflag:s22], $0x2800  }
0x3d: {  	s0 =	sshra.s32 s0, $0x2;
	[sflag:s22] =	ssyncset.done $0x0  }
0x3e: {  	s12 =	sadd.s32 $0x2780, s0;
	[sflag:s22] =	ssyncadd.s32 $0xFFFFD800  }
0x3f: {  	[spmem:s3] =	stream.indirect.scatter.add.f32 [tilespmem:s20], [sflag:$0x3], $0x80, s12, s19, $0xb8;
	[tilespmem:$0x1F000] =	vst v63  }
0x40: {  	_ =	swait.ge [sflag:s14], $0x2800  }
0x41: {  	[sflag:s14] =	ssyncset.done $0x0  }
0x42: {  	s12 =	sadd.s32 $0xFFFFFFB0, s2;
	[sflag:s14] =	ssyncadd.s32 $0xFFFFD800  }
0x43: {  	[tilespmem:s20], [sflag:$0x1] =	stream.indirect.gather [hbm4b:s1+s19], $0x80, s12, s19, $0xb8;
	[tilespmem:$0x1F000] =	vst v63  }
0x44: {  	_ =	swait.ge [sflag:s23], $0x2800  }
0x45: {  	[sflag:s23] =	ssyncset.done $0x0  }
.Ltmp0:
0x46: {  	s0 =	sadd.s32 $0x2800, s0;
	[sflag:s23] =	ssyncadd.s32 $0xFFFFD800;
	(pc) =	sbr.rel @p1 .LBB2_2-.Ltmp0, $4  }
0x47: {  	[spmem:s3] =	stream.indirect.scatter.add.f32 [tilespmem:s21], [sflag:$0x3], $0x80, s0, s19, $0xb8;
	[tilespmem:$0x1F000] =	vst v63  }
0x48: {  	_ =	swait.ge [sflag:s14], $0x2800  }
0x49: {  	[sflag:s14] =	ssyncset.done $0x0  }
0x4a: {  	s2 =	sadd.s32 $0xA0, s2;
	[sflag:s14] =	ssyncadd.s32 $0xFFFFD800  }
0x4b: {  	[tilespmem:s21], [sflag:$0x2] =	stream.indirect.gather [hbm4b:s1+s19], $0x80, s30, s19, $0xb8;
	[tilespmem:$0x1F000] =	vst v63  }
0x4c: {  	_ =	swait.ge [sflag:s22], $0x2800  }
0x4d: {  	[sflag:s22] =	ssyncset.done $0x0  }
0x4e: {  	[sflag:s22] =	ssyncadd.s32 $0xFFFFD800  }
0x4f: {  	[spmem:s3] =	stream.indirect.scatter.add.f32 [tilespmem:s20], [sflag:$0x3], $0x80, s24, s19, $0xb8;
	[tilespmem:$0x1F000] =	vst v63  }
0x50: {  	_ =	swait.ge [sflag:s14], $0x2800  }
0x51: {  	[sflag:s14] =	ssyncset.done $0x0  }
0x52: {  	[sflag:s14] =	ssyncadd.s32 $0xFFFFD800  }
0x53: {  	[tilespmem:s20], [sflag:$0x1] =	stream.indirect.gather [hbm4b:s1+s19], $0x80, s25, s19, $0xb8;
	[tilespmem:$0x1F000] =	vst v63  }
0x54: {  	_ =	swait.ge [sflag:s23], $0x2800  }
0x55: {  	[sflag:s23] =	ssyncset.done $0x0  }
0x56: {  	[sflag:s23] =	ssyncadd.s32 $0xFFFFD800  }
0x57: {  	[spmem:s3] =	stream.indirect.scatter.add.f32 [tilespmem:s21], [sflag:$0x3], $0x80, s26, s19, $0xb8;
	[tilespmem:$0x1F000] =	vst v63  }
0x58: {  	_ =	swait.ge [sflag:s14], $0x2800  }
0x59: {  	[sflag:s14] =	ssyncset.done $0x0  }
0x5a: {  	[sflag:s14] =	ssyncadd.s32 $0xFFFFD800  }
0x5b: {  	_ =	swait.ge [sflag:s22], $0x2800  }
0x5c: {  	[sflag:s22] =	ssyncset.done $0x0  }
0x5d: {  	[sflag:s22] =	ssyncadd.s32 $0xFFFFD800  }
0x5e: {  	[spmem:s3] =	stream.indirect.scatter.add.f32 [tilespmem:s20], [sflag:$0x3], $0x80, s28, s19, $0xb8;
	[tilespmem:$0x1F000] =	vst v63  }
0x5f: {  	_ =	swait.ge [sflag:s14], $0x2800  }
0x60: {  	[sflag:s14] =	ssyncset.done $0x0  }
0x61: {  	[sflag:s14] =	ssyncadd.s32 $0xFFFFD800  }
0x62: {  	[bflag:$0x0] =	sbarrier.arrive $0xFFFF  }
0x63: {  	[hbm:s9], [sflag:s16] =	dma.local [spmem:s17], $0x2700  }
0x64: {  	s29 =	sadd.s32 $0x1, s29;
	_ =	swait.ge [sflag:s14], $0x2700  }
0x65: {  	p1 =	sne.s32 s29, s11;
	[sflag:s14] =	ssyncset.done $0x0  }
.Ltmp1:
0x66: {  	s0 =	simm.s32 @!p0 $0x3;
	[sflag:s14] =	ssyncadd.s32 $0xFFFFD900;
	(pc) =	sbr.rel @p1 .LBB2_1-.Ltmp1, $4  }
0x67: {  	[hbm:s10], [sflag:s16] =	dma.local @!p0 [spmem:s18], $0x100  }
0x68: {  	_ =	swait.ge @!p0 [sflag:s0], $0x100  }
0x69: {  	[sflag:s0] =	ssyncset.done @!p0 $0x0  }
0x6a: {  	[sflag:s0] =	ssyncadd.s32 @!p0 $0xFFFFFF00  }
0x6b: {  	_ =	sfence.sel $0x180000  }
0x6c: {  	[bflag:$0x0] =	sbarrier.arrive $0xFFFF  }
0x6d: {  	_ =	strace $0x9000004A  }
0x6e: {  	s0 =	stileid.u32;
	[bflag:$0x2] =	sbarrier.arrive $0xFFFF  }
0x6f: {  	p0 =	sne.s32 s0, $0x0;
	s0 =	rddreg [dreg:$0x3]  }
0x70: {  	s0 =	sadd.s32 @!p0 $0x100000, s0  }
0x71: {  	[sflag:s0] =	ssyncadd.tile.s32 @!p0 $0x1;
	_ =	shalt  }
.Lfunc_end2:
_tile_overlayer_lowered:
.L_overlay_start_2:
0x72: {  	(tag) =	ssettag $0x2  }
0x73: {  	s0 =	rddreg [dreg:$0x0];
	s2 =	stileid.u32  }
0x74: {  	s1 =	rddreg [dreg:$0x1];
	p0 =	sne.s32 s2, $0x0  }
0x75: {  	s3 =	rddreg [dreg:$0x2];
	[bflag:$0x3] =	sbarrier.arrive $0xFFFF;
	s2 =	simm.s32 @!p0 $0x1C03  }
0x76: {  	[timem:s3], [sflag:s2] =	dma.local @!p0 [hbm:s0], s1  }
0x77: {  	s0 =	simm.s32 @!p0 $0x3  }
0x78: {  	_ =	swait.ge @!p0 [sflag:s0], s1  }
0x79: {  	s1 =	ssub.s32 @!p0 $0x0, s1;
	[sflag:s0] =	ssyncset.done @!p0 $0x0  }
0x7a: {  	[sflag:s0] =	ssyncadd.s32 @!p0 s1  }
0x7b: {  	[bflag:$0x3] =	sbarrier.arrive $0xFFFF  }
0x7c: {  	_ =	shalt  }

</sc_bundles>
